<compile_context>
chip_gen: v7x
topology: tpu7x:2x2x1
jax: 0.10.2.dev20260603
libtpu: 0.0.44.dev20260713+nightly
codegen_flags: <defaults>
</compile_context>

<pallas_src>
import functools

import jax
import jax.numpy as jnp
from jax import lax
from jax.experimental import pallas as pl
from jax.experimental.pallas import tpu as pltpu
from jax.experimental.pallas import tpu_sc as plsc

A = 4096
S = 50
V = 100000
D = 64
NW = 32
L = 16

_mesh = plsc.VectorSubcoreMesh(core_axis_name="c", subcore_axis_name="s")


@functools.partial(
    pl.kernel,
    mesh=_mesh,
    out_type=jax.ShapeDtypeStruct((S, D, A), jnp.float32),
    compiler_params=pltpu.CompilerParams(needs_layout_passes=False),
    scratch_types=[
        pltpu.VMEM((V,), jnp.float32),
        pltpu.VMEM((A,), jnp.int32),
        pltpu.VMEM((A,), jnp.int32),
        pltpu.VMEM((A,), jnp.float32),
        pltpu.VMEM((A,), jnp.float32),
        pltpu.VMEM_SHARED((S * A,), jnp.int32),
        pltpu.SemaphoreType.DMA,
        pltpu.SemaphoreType.DMA,
        pltpu.SemaphoreType.DMA,
        pltpu.SemaphoreType.DMA,
        pltpu.SemaphoreType.DMA,
    ],
)
def _gather_kernel(idx_hbm, tablet_hbm, out_hbm, col_v, idx_v0, idx_v1,
                   val_v0, val_v1, idx_sh, isem0, isem1, ssem0, ssem1, csem):
    sid = lax.axis_index("s")
    wid = sid * 2 + lax.axis_index("c")
    slots = ((idx_v0, val_v0, isem0, ssem0), (idx_v1, val_v1, isem1, ssem1))

    col0 = pltpu.async_copy(tablet_hbm.at[wid], col_v, csem)

    stage = (S * A) // 16
    pltpu.sync_copy(idx_hbm.at[pl.ds(sid * stage, stage)],
                    idx_sh.at[pl.ds(sid * stage, stage)])
    plsc.subcore_barrier()

    for dpass in range(2):
        d = wid + NW * dpass
        if dpass == 0:
            col0.wait()
        else:
            pltpu.sync_copy(tablet_hbm.at[d], col_v)

        for slot in range(2):
            iv, _, isem, _ = slots[slot]
            pltpu.async_copy(idx_sh.at[pl.ds(slot * A, A)], iv, isem)

        @pl.loop(0, S, step=2)
        def _pair(b0):
            for slot in range(2):
                iv, vv, isem, ssem = slots[slot]
                b = b0 + slot
                pltpu.make_async_copy(idx_sh.at[pl.ds(b * A, A)], iv,
                                      isem).wait()

                @pl.when(b0 >= 2)
                def _():
                    pltpu.make_async_copy(vv, out_hbm.at[b - 2, d],
                                          ssem).wait()

                @plsc.parallel_loop(0, A // L, unroll=16)
                def _grp(j):
                    idx16 = iv[pl.ds(j * L, L)]
                    vv[pl.ds(j * L, L)] = plsc.load_gather(col_v, [idx16])

                pltpu.async_copy(vv, out_hbm.at[b, d], ssem)

                @pl.when(b + 2 < S)
                def _():
                    pltpu.async_copy(idx_sh.at[pl.ds((b + 2) * A, A)], iv,
                                     isem)

        for slot in range(2):
            _, vv, _, ssem = slots[slot]
            pltpu.make_async_copy(vv, out_hbm.at[S - 2 + slot, d],
                                  ssem).wait()


def kernel(items, table):
    idx = items.T.reshape(-1)
    out = _gather_kernel(idx, table.T)
    return out.transpose(2, 0, 1)

# --- scband reference (transcript-rebuilt; emitter-appended) ---
"""Pipeline reference for scband-item-embedding-32521492365905 (READ-ONLY COPY).

The authoritative reference and input builder live on the scoring server;
editing this copy changes nothing except your own understanding.
"""

import jax, jax.numpy as jnp
import numpy as np

NUM_ITEMS = 100000
EMB_SIZE = 64

def setup_inputs(seed: int = 0) -> dict:
    key = jax.random.key(seed)
    k1, k2 = jax.random.split(key)
    items = jax.random.randint(k1, (4096, 50), 0, NUM_ITEMS, dtype=jnp.int64 if jax.config.jax_enable_x64 else jnp.int32)
    table = jax.random.normal(k2, (NUM_ITEMS, EMB_SIZE), dtype=jnp.float32)
    return {"items": items, "table": table}

def reference(items, table):
    # nn.Embedding forward: table[items]
    return jnp.take(table, items, axis=0)

if __name__ == "__main__":
    import jax
    _d = setup_inputs()
    print(jax.jit(kernel)(*tuple(_d.values())))

</pallas_src>

<mosaic_0001>
#map = affine_map<(d0, d1) -> (0)>
#map1 = affine_map<(d0, d1) -> (0, 0)>
#map2 = affine_map<(d0, d1) -> (0, 0, 0)>
module attributes {stable_mosaic.version = 14 : i64} {
  func.func @_gather_kernel(%arg0: i32, %arg1: i32, %arg2: memref<204800xi32, #tpu.memory_space<hbm>>, %arg3: memref<64x100000xf32, #tpu.memory_space<hbm>>, %arg4: memref<50x64x4096xf32, #tpu.memory_space<hbm>>, %arg5: memref<100000xf32, #tpu.memory_space<vmem>>, %arg6: memref<4096xi32, #tpu.memory_space<vmem>>, %arg7: memref<4096xi32, #tpu.memory_space<vmem>>, %arg8: memref<4096xf32, #tpu.memory_space<vmem>>, %arg9: memref<4096xf32, #tpu.memory_space<vmem>>, %arg10: memref<204800xi32, #tpu.memory_space<vmem_shared>>, %arg11: memref<!tpu.dma_semaphore, #tpu.memory_space<semaphore_mem>>, %arg12: memref<!tpu.dma_semaphore, #tpu.memory_space<semaphore_mem>>, %arg13: memref<!tpu.dma_semaphore, #tpu.memory_space<semaphore_mem>>, %arg14: memref<!tpu.dma_semaphore, #tpu.memory_space<semaphore_mem>>, %arg15: memref<!tpu.dma_semaphore, #tpu.memory_space<semaphore_mem>>) attributes {dimension_semantics = [#tpu.dimension_semantics<core_parallel>, #tpu.dimension_semantics<subcore_parallel>], iteration_bounds = array<i64: 2, 16>, scalar_prefetch = 0 : i64, scratch_operands = 11 : i64, tpu.core_type = #tpu.core_type<sc_vector_subcore>, window_params = [{transform_indices = #map}, {transform_indices = #map1}, {transform_indices = #map2}]} {
    %mul3A = arith.constant 2 : i32
    %mul3A_0 = arith.muli %arg1, %mul3A : i32
    %add3A = arith.addi %mul3A_0, %arg0 : i32
    %dma_start3A = arith.constant 0 : i32
    %dma_start3A_1 = tpu.memref_slice %arg3[%add3A, %dma_start3A] : memref<64x100000xf32, #tpu.memory_space<hbm>> -> memref<1x100000xf32, #tpu.memory_space<hbm>>
    %dma_start3A_2 = tpu.memref_squeeze %dma_start3A_1 : memref<1x100000xf32, #tpu.memory_space<hbm>> -> memref<100000xf32, #tpu.memory_space<hbm>>
    %dma_start3A_3 = arith.constant 0 : i32
    %dma_start3A_4 = tpu.memref_slice %arg3[%add3A, %dma_start3A_3] : memref<64x100000xf32, #tpu.memory_space<hbm>> -> memref<1x100000xf32, #tpu.memory_space<hbm>>
    %dma_start3A_5 = tpu.memref_squeeze %dma_start3A_4 : memref<1x100000xf32, #tpu.memory_space<hbm>> -> memref<100000xf32, #tpu.memory_space<hbm>>
    tpu.enqueue_dma source(%dma_start3A_5 : memref<100000xf32, #tpu.memory_space<hbm>>) target(%arg5 : memref<100000xf32, #tpu.memory_space<vmem>>) target_semaphore(%arg15 : memref<!tpu.dma_semaphore, #tpu.memory_space<semaphore_mem>>)
    %mul3A_6 = arith.constant 12800 : i32
    %mul3A_7 = arith.muli %arg1, %mul3A_6 : i32
    %mul3A_8 = arith.constant 12800 : i32
    %mul3A_9 = arith.muli %arg1, %mul3A_8 : i32
    "tpu.region"() ({
      %run_scoped3A = tpu.sem_alloc : memref<!tpu.dma_semaphore, #tpu.memory_space<semaphore_mem>>
      %dma_start3A_72 = tpu.memref_slice %arg10[%mul3A_9] : memref<204800xi32, #tpu.memory_space<vmem_shared>> -> memref<12800xi32, #tpu.memory_space<vmem_shared>>
      %dma_start3A_73 = tpu.memref_slice %arg2[%mul3A_7] : memref<204800xi32, #tpu.memory_space<hbm>> -> memref<12800xi32, #tpu.memory_space<hbm>>
      tpu.enqueue_dma source(%dma_start3A_73 : memref<12800xi32, #tpu.memory_space<hbm>>) target(%dma_start3A_72 : memref<12800xi32, #tpu.memory_space<vmem_shared>>) target_semaphore(%run_scoped3A : memref<!tpu.dma_semaphore, #tpu.memory_space<semaphore_mem>>)
      %dma_wait3A_74 = tpu.memref_slice %arg10[%mul3A_9] : memref<204800xi32, #tpu.memory_space<vmem_shared>> -> memref<12800xi32, #tpu.memory_space<vmem_shared>>
      %dma_wait3A_75 = tpu.memref_slice %arg2[%mul3A_7] : memref<204800xi32, #tpu.memory_space<hbm>> -> memref<12800xi32, #tpu.memory_space<hbm>>
      tpu.wait_dma2 semaphore(%run_scoped3A : memref<!tpu.dma_semaphore, #tpu.memory_space<semaphore_mem>>) src(%dma_wait3A_75 : memref<12800xi32, #tpu.memory_space<hbm>>) dst(%dma_wait3A_74 : memref<12800xi32, #tpu.memory_space<vmem_shared>>)
      tpu.yield
    }) : () -> ()
    %barrier3A = arith.constant 0 : index
    tpu.barrier barrier_id(%barrier3A)
    %add3A_10 = arith.constant 0 : i32
    %add3A_11 = arith.addi %add3A, %add3A_10 : i32
    %dma_wait3A = arith.constant 0 : i32
    %dma_wait3A_12 = tpu.memref_slice %arg3[%add3A, %dma_wait3A] : memref<64x100000xf32, #tpu.memory_space<hbm>> -> memref<1x100000xf32, #tpu.memory_space<hbm>>
    %dma_wait3A_13 = tpu.memref_squeeze %dma_wait3A_12 : memref<1x100000xf32, #tpu.memory_space<hbm>> -> memref<100000xf32, #tpu.memory_space<hbm>>
    %dma_wait3A_14 = arith.constant 0 : i32
    %dma_wait3A_15 = tpu.memref_slice %arg3[%add3A, %dma_wait3A_14] : memref<64x100000xf32, #tpu.memory_space<hbm>> -> memref<1x100000xf32, #tpu.memory_space<hbm>>
    %dma_wait3A_16 = tpu.memref_squeeze %dma_wait3A_15 : memref<1x100000xf32, #tpu.memory_space<hbm>> -> memref<100000xf32, #tpu.memory_space<hbm>>
    tpu.wait_dma2 semaphore(%arg15 : memref<!tpu.dma_semaphore, #tpu.memory_space<semaphore_mem>>) src(%dma_wait3A_16 : memref<100000xf32, #tpu.memory_space<hbm>>) dst(%arg5 : memref<100000xf32, #tpu.memory_space<vmem>>)
    %dma_start3A_17 = arith.constant 0 : i32
    %dma_start3A_18 = tpu.memref_slice %arg10[%dma_start3A_17] : memref<204800xi32, #tpu.memory_space<vmem_shared>> -> memref<4096xi32, #tpu.memory_space<vmem_shared>>
    %dma_start3A_19 = arith.constant 0 : i32
    %dma_start3A_20 = tpu.memref_slice %arg10[%dma_start3A_19] : memref<204800xi32, #tpu.memory_space<vmem_shared>> -> memref<4096xi32, #tpu.memory_space<vmem_shared>>
    tpu.enqueue_dma source(%dma_start3A_20 : memref<4096xi32, #tpu.memory_space<vmem_shared>>) target(%arg6 : memref<4096xi32, #tpu.memory_space<vmem>>) target_semaphore(%arg11 : memref<!tpu.dma_semaphore, #tpu.memory_space<semaphore_mem>>)
    %dma_start3A_21 = arith.constant 4096 : i32
    %dma_start3A_22 = tpu.memref_slice %arg10[%dma_start3A_21] : memref<204800xi32, #tpu.memory_space<vmem_shared>> -> memref<4096xi32, #tpu.memory_space<vmem_shared>>
    %dma_start3A_23 = arith.constant 4096 : i32
    %dma_start3A_24 = tpu.memref_slice %arg10[%dma_start3A_23] : memref<204800xi32, #tpu.memory_space<vmem_shared>> -> memref<4096xi32, #tpu.memory_space<vmem_shared>>
    tpu.enqueue_dma source(%dma_start3A_24 : memref<4096xi32, #tpu.memory_space<vmem_shared>>) target(%arg7 : memref<4096xi32, #tpu.memory_space<vmem>>) target_semaphore(%arg12 : memref<!tpu.dma_semaphore, #tpu.memory_space<semaphore_mem>>)
    %scan3A = arith.constant 0 : i32
    %scan3A_25 = arith.constant 25 : i32
    %scan3A_26 = arith.addi %scan3A, %scan3A_25 : i32
    %scan3A_27 = arith.constant 1 : i32
    scf.for %scan3A_72 = %scan3A to %scan3A_26 step %scan3A_27  : i32 {
      %mul3A_73 = arith.constant 2 : i32
      %mul3A_74 = arith.muli %scan3A_72, %mul3A_73 : i32
      %add3A_75 = arith.constant 0 : i32
      %add3A_76 = arith.addi %add3A_75, %mul3A_74 : i32
      %add3A_77 = arith.constant 0 : i32
      %add3A_78 = arith.addi %add3A_76, %add3A_77 : i32
      %mul3A_79 = arith.constant 4096 : i32
      %mul3A_80 = arith.muli %add3A_78, %mul3A_79 : i32
      %dma_wait3A_81 = tpu.memref_slice %arg10[%mul3A_80] : memref<204800xi32, #tpu.memory_space<vmem_shared>> -> memref<4096xi32, #tpu.memory_space<vmem_shared>>
      %dma_wait3A_82 = tpu.memref_slice %arg10[%mul3A_80] : memref<204800xi32, #tpu.memory_space<vmem_shared>> -> memref<4096xi32, #tpu.memory_space<vmem_shared>>
      tpu.wait_dma2 semaphore(%arg11 : memref<!tpu.dma_semaphore, #tpu.memory_space<semaphore_mem>>) src(%dma_wait3A_82 : memref<4096xi32, #tpu.memory_space<vmem_shared>>) dst(%arg6 : memref<4096xi32, #tpu.memory_space<vmem>>)
      %ge3A = arith.constant 2 : i32
      %ge3A_83 = arith.cmpi sge, %add3A_76, %ge3A : i32
      %convert_element_type3A = arith.extui %ge3A_83 : i1 to i32
      %cond3A = arith.constant 0 : i32
      %cond3A_84 = arith.cmpi ne, %convert_element_type3A, %cond3A : i32
      scf.if %cond3A_84 {
        %sub3A = arith.constant 2 : i32
        %sub3A_126 = arith.subi %add3A_78, %sub3A : i32
        %dma_wait3A_127 = arith.constant 0 : i32
        %dma_wait3A_128 = tpu.memref_slice %arg4[%sub3A_126, %add3A_11, %dma_wait3A_127] : memref<50x64x4096xf32, #tpu.memory_space<hbm>> -> memref<1x1x4096xf32, #tpu.memory_space<hbm>>
        %dma_wait3A_129 = tpu.memref_squeeze %dma_wait3A_128 : memref<1x1x4096xf32, #tpu.memory_space<hbm>> -> memref<4096xf32, #tpu.memory_space<hbm>>
        %dma_wait3A_130 = arith.constant 0 : i32
        %dma_wait3A_131 = tpu.memref_slice %arg4[%sub3A_126, %add3A_11, %dma_wait3A_130] : memref<50x64x4096xf32, #tpu.memory_space<hbm>> -> memref<1x1x4096xf32, #tpu.memory_space<hbm>>
        %dma_wait3A_132 = tpu.memref_squeeze %dma_wait3A_131 : memref<1x1x4096xf32, #tpu.memory_space<hbm>> -> memref<4096xf32, #tpu.memory_space<hbm>>
        tpu.wait_dma2 semaphore(%arg13 : memref<!tpu.dma_semaphore, #tpu.memory_space<semaphore_mem>>) src(%arg8 : memref<4096xf32, #tpu.memory_space<vmem>>) dst(%dma_wait3A_132 : memref<4096xf32, #tpu.memory_space<hbm>>)
      } else {
      }
      %parallel_loop3A = arith.constant 0 : i32
      %parallel_loop3A_85 = arith.constant 256 : i32
      %parallel_loop3A_86 = arith.constant 1 : i32
      scf.for %parallel_loop3A_126 = %parallel_loop3A to %parallel_loop3A_85 step %parallel_loop3A_86  : i32 {
        %parallel_loop3A_127 = arith.constant 16 : i32
        %parallel_loop3A_128 = arith.muli %parallel_loop3A_126, %parallel_loop3A_127 : i32
        %parallel_loop3A_129 = arith.index_cast %parallel_loop3A_128 : i32 to index
        %parallel_loop3A_130 = tpu.vector_load %arg6[%parallel_loop3A_129] {strides = array<i32>} : memref<4096xi32, #tpu.memory_space<vmem>>, vector<16xi32>,
        %parallel_loop3A_131 = tpu.vector_load_idx %arg5[%parallel_loop3A_130] : memref<100000xf32, #tpu.memory_space<vmem>>[vector<16xi32>], vector<16xf32>,
        %parallel_loop3A_132 = arith.constant 16 : i32
        %parallel_loop3A_133 = arith.muli %parallel_loop3A_126, %parallel_loop3A_132 : i32
        %parallel_loop3A_134 = arith.index_cast %parallel_loop3A_133 : i32 to index
        %parallel_loop3A_135 = tpu.vector_load %arg8[%parallel_loop3A_134] {strides = array<i32>} : memref<4096xf32, #tpu.memory_space<vmem>>, vector<16xf32>,
        tpu.vector_store %arg8[%parallel_loop3A_134], %parallel_loop3A_131 {strides = array<i32>} : memref<4096xf32, #tpu.memory_space<vmem>>, vector<16xf32>,
      } {sc.loop_unroll_factor = 16 : i64, sc.parallel_access}
      %dma_start3A_87 = arith.constant 0 : i32
      %dma_start3A_88 = tpu.memref_slice %arg4[%add3A_78, %add3A_11, %dma_start3A_87] : memref<50x64x4096xf32, #tpu.memory_space<hbm>> -> memref<1x1x4096xf32, #tpu.memory_space<hbm>>
      %dma_start3A_89 = tpu.memref_squeeze %dma_start3A_88 : memref<1x1x4096xf32, #tpu.memory_space<hbm>> -> memref<4096xf32, #tpu.memory_space<hbm>>
      %dma_start3A_90 = arith.constant 0 : i32
      %dma_start3A_91 = tpu.memref_slice %arg4[%add3A_78, %add3A_11, %dma_start3A_90] : memref<50x64x4096xf32, #tpu.memory_space<hbm>> -> memref<1x1x4096xf32, #tpu.memory_space<hbm>>
      %dma_start3A_92 = tpu.memref_squeeze %dma_start3A_91 : memref<1x1x4096xf32, #tpu.memory_space<hbm>> -> memref<4096xf32, #tpu.memory_space<hbm>>
      tpu.enqueue_dma source(%arg8 : memref<4096xf32, #tpu.memory_space<vmem>>) target(%dma_start3A_92 : memref<4096xf32, #tpu.memory_space<hbm>>) target_semaphore(%arg13 : memref<!tpu.dma_semaphore, #tpu.memory_space<semaphore_mem>>)
      %add3A_93 = arith.constant 2 : i32
      %add3A_94 = arith.addi %add3A_78, %add3A_93 : i32
      %lt3A = arith.constant 50 : i32
      %lt3A_95 = arith.cmpi slt, %add3A_94, %lt3A : i32
      %convert_element_type3A_96 = arith.extui %lt3A_95 : i1 to i32
      %cond3A_97 = arith.constant 0 : i32
      %cond3A_98 = arith.cmpi ne, %convert_element_type3A_96, %cond3A_97 : i32
      scf.if %cond3A_98 {
        %add3A_126 = arith.constant 2 : i32
        %add3A_127 = arith.addi %add3A_78, %add3A_126 : i32
        %mul3A_128 = arith.constant 4096 : i32
        %mul3A_129 = arith.muli %add3A_127, %mul3A_128 : i32
        %dma_start3A_130 = tpu.memref_slice %arg10[%mul3A_129] : memref<204800xi32, #tpu.memory_space<vmem_shared>> -> memref<4096xi32, #tpu.memory_space<vmem_shared>>
        %dma_start3A_131 = tpu.memref_slice %arg10[%mul3A_129] : memref<204800xi32, #tpu.memory_space<vmem_shared>> -> memref<4096xi32, #tpu.memory_space<vmem_shared>>
        tpu.enqueue_dma source(%dma_start3A_131 : memref<4096xi32, #tpu.memory_space<vmem_shared>>) target(%arg6 : memref<4096xi32, #tpu.memory_space<vmem>>) target_semaphore(%arg11 : memref<!tpu.dma_semaphore, #tpu.memory_space<semaphore_mem>>)
      } else {
      }
      %add3A_99 = arith.constant 1 : i32
      %add3A_100 = arith.addi %add3A_76, %add3A_99 : i32
      %mul3A_101 = arith.constant 4096 : i32
      %mul3A_102 = arith.muli %add3A_100, %mul3A_101 : i32
      %dma_wait3A_103 = tpu.memref_slice %arg10[%mul3A_102] : memref<204800xi32, #tpu.memory_space<vmem_shared>> -> memref<4096xi32, #tpu.memory_space<vmem_shared>>
      %dma_wait3A_104 = tpu.memref_slice %arg10[%mul3A_102] : memref<204800xi32, #tpu.memory_space<vmem_shared>> -> memref<4096xi32, #tpu.memory_space<vmem_shared>>
      tpu.wait_dma2 semaphore(%arg12 : memref<!tpu.dma_semaphore, #tpu.memory_space<semaphore_mem>>) src(%dma_wait3A_104 : memref<4096xi32, #tpu.memory_space<vmem_shared>>) dst(%arg7 : memref<4096xi32, #tpu.memory_space<vmem>>)
      %ge3A_105 = arith.constant 2 : i32
      %ge3A_106 = arith.cmpi sge, %add3A_76, %ge3A_105 : i32
      %convert_element_type3A_107 = arith.extui %ge3A_106 : i1 to i32
      %cond3A_108 = arith.constant 0 : i32
      %cond3A_109 = arith.cmpi ne, %convert_element_type3A_107, %cond3A_108 : i32
      scf.if %cond3A_109 {
        %sub3A = arith.constant 2 : i32
        %sub3A_126 = arith.subi %add3A_100, %sub3A : i32
        %dma_wait3A_127 = arith.constant 0 : i32
        %dma_wait3A_128 = tpu.memref_slice %arg4[%sub3A_126, %add3A_11, %dma_wait3A_127] : memref<50x64x4096xf32, #tpu.memory_space<hbm>> -> memref<1x1x4096xf32, #tpu.memory_space<hbm>>
        %dma_wait3A_129 = tpu.memref_squeeze %dma_wait3A_128 : memref<1x1x4096xf32, #tpu.memory_space<hbm>> -> memref<4096xf32, #tpu.memory_space<hbm>>
        %dma_wait3A_130 = arith.constant 0 : i32
        %dma_wait3A_131 = tpu.memref_slice %arg4[%sub3A_126, %add3A_11, %dma_wait3A_130] : memref<50x64x4096xf32, #tpu.memory_space<hbm>> -> memref<1x1x4096xf32, #tpu.memory_space<hbm>>
        %dma_wait3A_132 = tpu.memref_squeeze %dma_wait3A_131 : memref<1x1x4096xf32, #tpu.memory_space<hbm>> -> memref<4096xf32, #tpu.memory_space<hbm>>
        tpu.wait_dma2 semaphore(%arg14 : memref<!tpu.dma_semaphore, #tpu.memory_space<semaphore_mem>>) src(%arg9 : memref<4096xf32, #tpu.memory_space<vmem>>) dst(%dma_wait3A_132 : memref<4096xf32, #tpu.memory_space<hbm>>)
      } else {
      }
      %parallel_loop3A_110 = arith.constant 0 : i32
      %parallel_loop3A_111 = arith.constant 256 : i32
      %parallel_loop3A_112 = arith.constant 1 : i32
      scf.for %parallel_loop3A_126 = %parallel_loop3A_110 to %parallel_loop3A_111 step %parallel_loop3A_112  : i32 {
        %parallel_loop3A_127 = arith.constant 16 : i32
        %parallel_loop3A_128 = arith.muli %parallel_loop3A_126, %parallel_loop3A_127 : i32
        %parallel_loop3A_129 = arith.index_cast %parallel_loop3A_128 : i32 to index
        %parallel_loop3A_130 = tpu.vector_load %arg7[%parallel_loop3A_129] {strides = array<i32>} : memref<4096xi32, #tpu.memory_space<vmem>>, vector<16xi32>,
        %parallel_loop3A_131 = tpu.vector_load_idx %arg5[%parallel_loop3A_130] : memref<100000xf32, #tpu.memory_space<vmem>>[vector<16xi32>], vector<16xf32>,
        %parallel_loop3A_132 = arith.constant 16 : i32
        %parallel_loop3A_133 = arith.muli %parallel_loop3A_126, %parallel_loop3A_132 : i32
        %parallel_loop3A_134 = arith.index_cast %parallel_loop3A_133 : i32 to index
        %parallel_loop3A_135 = tpu.vector_load %arg9[%parallel_loop3A_134] {strides = array<i32>} : memref<4096xf32, #tpu.memory_space<vmem>>, vector<16xf32>,
        tpu.vector_store %arg9[%parallel_loop3A_134], %parallel_loop3A_131 {strides = array<i32>} : memref<4096xf32, #tpu.memory_space<vmem>>, vector<16xf32>,
      } {sc.loop_unroll_factor = 16 : i64, sc.parallel_access}
      %dma_start3A_113 = arith.constant 0 : i32
      %dma_start3A_114 = tpu.memref_slice %arg4[%add3A_100, %add3A_11, %dma_start3A_113] : memref<50x64x4096xf32, #tpu.memory_space<hbm>> -> memref<1x1x4096xf32, #tpu.memory_space<hbm>>
      %dma_start3A_115 = tpu.memref_squeeze %dma_start3A_114 : memref<1x1x4096xf32, #tpu.memory_space<hbm>> -> memref<4096xf32, #tpu.memory_space<hbm>>
      %dma_start3A_116 = arith.constant 0 : i32
      %dma_start3A_117 = tpu.memref_slice %arg4[%add3A_100, %add3A_11, %dma_start3A_116] : memref<50x64x4096xf32, #tpu.memory_space<hbm>> -> memref<1x1x4096xf32, #tpu.memory_space<hbm>>
      %dma_start3A_118 = tpu.memref_squeeze %dma_start3A_117 : memref<1x1x4096xf32, #tpu.memory_space<hbm>> -> memref<4096xf32, #tpu.memory_space<hbm>>
      tpu.enqueue_dma source(%arg9 : memref<4096xf32, #tpu.memory_space<vmem>>) target(%dma_start3A_118 : memref<4096xf32, #tpu.memory_space<hbm>>) target_semaphore(%arg14 : memref<!tpu.dma_semaphore, #tpu.memory_space<semaphore_mem>>)
      %add3A_119 = arith.constant 2 : i32
      %add3A_120 = arith.addi %add3A_100, %add3A_119 : i32
      %lt3A_121 = arith.constant 50 : i32
      %lt3A_122 = arith.cmpi slt, %add3A_120, %lt3A_121 : i32
      %convert_element_type3A_123 = arith.extui %lt3A_122 : i1 to i32
      %cond3A_124 = arith.constant 0 : i32
      %cond3A_125 = arith.cmpi ne, %convert_element_type3A_123, %cond3A_124 : i32
      scf.if %cond3A_125 {
        %add3A_126 = arith.constant 2 : i32
        %add3A_127 = arith.addi %add3A_100, %add3A_126 : i32
        %mul3A_128 = arith.constant 4096 : i32
        %mul3A_129 = arith.muli %add3A_127, %mul3A_128 : i32
        %dma_start3A_130 = tpu.memref_slice %arg10[%mul3A_129] : memref<204800xi32, #tpu.memory_space<vmem_shared>> -> memref<4096xi32, #tpu.memory_space<vmem_shared>>
        %dma_start3A_131 = tpu.memref_slice %arg10[%mul3A_129] : memref<204800xi32, #tpu.memory_space<vmem_shared>> -> memref<4096xi32, #tpu.memory_space<vmem_shared>>
        tpu.enqueue_dma source(%dma_start3A_131 : memref<4096xi32, #tpu.memory_space<vmem_shared>>) target(%arg7 : memref<4096xi32, #tpu.memory_space<vmem>>) target_semaphore(%arg12 : memref<!tpu.dma_semaphore, #tpu.memory_space<semaphore_mem>>)
      } else {
      }
    }
    %scan3A_28 = arith.constant 25 : i32
    %dma_wait3A_29 = arith.constant 48 : i32
    %dma_wait3A_30 = arith.constant 0 : i32
    %dma_wait3A_31 = tpu.memref_slice %arg4[%dma_wait3A_29, %add3A_11, %dma_wait3A_30] : memref<50x64x4096xf32, #tpu.memory_space<hbm>> -> memref<1x1x4096xf32, #tpu.memory_space<hbm>>
    %dma_wait3A_32 = tpu.memref_squeeze %dma_wait3A_31 : memref<1x1x4096xf32, #tpu.memory_space<hbm>> -> memref<4096xf32, #tpu.memory_space<hbm>>
    %dma_wait3A_33 = arith.constant 0 : i32
    %dma_wait3A_34 = tpu.memref_slice %arg4[%dma_wait3A_29, %add3A_11, %dma_wait3A_33] : memref<50x64x4096xf32, #tpu.memory_space<hbm>> -> memref<1x1x4096xf32, #tpu.memory_space<hbm>>
    %dma_wait3A_35 = tpu.memref_squeeze %dma_wait3A_34 : memref<1x1x4096xf32, #tpu.memory_space<hbm>> -> memref<4096xf32, #tpu.memory_space<hbm>>
    tpu.wait_dma2 semaphore(%arg13 : memref<!tpu.dma_semaphore, #tpu.memory_space<semaphore_mem>>) src(%arg8 : memref<4096xf32, #tpu.memory_space<vmem>>) dst(%dma_wait3A_35 : memref<4096xf32, #tpu.memory_space<hbm>>)
    %dma_wait3A_36 = arith.constant 49 : i32
    %dma_wait3A_37 = arith.constant 0 : i32
    %dma_wait3A_38 = tpu.memref_slice %arg4[%dma_wait3A_36, %add3A_11, %dma_wait3A_37] : memref<50x64x4096xf32, #tpu.memory_space<hbm>> -> memref<1x1x4096xf32, #tpu.memory_space<hbm>>
    %dma_wait3A_39 = tpu.memref_squeeze %dma_wait3A_38 : memref<1x1x4096xf32, #tpu.memory_space<hbm>> -> memref<4096xf32, #tpu.memory_space<hbm>>
    %dma_wait3A_40 = arith.constant 0 : i32
    %dma_wait3A_41 = tpu.memref_slice %arg4[%dma_wait3A_36, %add3A_11, %dma_wait3A_40] : memref<50x64x4096xf32, #tpu.memory_space<hbm>> -> memref<1x1x4096xf32, #tpu.memory_space<hbm>>
    %dma_wait3A_42 = tpu.memref_squeeze %dma_wait3A_41 : memref<1x1x4096xf32, #tpu.memory_space<hbm>> -> memref<4096xf32, #tpu.memory_space<hbm>>
    tpu.wait_dma2 semaphore(%arg14 : memref<!tpu.dma_semaphore, #tpu.memory_space<semaphore_mem>>) src(%arg9 : memref<4096xf32, #tpu.memory_space<vmem>>) dst(%dma_wait3A_42 : memref<4096xf32, #tpu.memory_space<hbm>>)
    %add3A_43 = arith.constant 32 : i32
    %add3A_44 = arith.addi %add3A, %add3A_43 : i32
    "tpu.region"() ({
      %run_scoped3A = tpu.sem_alloc : memref<!tpu.dma_semaphore, #tpu.memory_space<semaphore_mem>>
      %dma_start3A_72 = arith.constant 0 : i32
      %dma_start3A_73 = tpu.memref_slice %arg3[%add3A_44, %dma_start3A_72] : memref<64x100000xf32, #tpu.memory_space<hbm>> -> memref<1x100000xf32, #tpu.memory_space<hbm>>
      %dma_start3A_74 = tpu.memref_squeeze %dma_start3A_73 : memref<1x100000xf32, #tpu.memory_space<hbm>> -> memref<100000xf32, #tpu.memory_space<hbm>>
      %dma_start3A_75 = arith.constant 0 : i32
      %dma_start3A_76 = tpu.memref_slice %arg3[%add3A_44, %dma_start3A_75] : memref<64x100000xf32, #tpu.memory_space<hbm>> -> memref<1x100000xf32, #tpu.memory_space<hbm>>
      %dma_start3A_77 = tpu.memref_squeeze %dma_start3A_76 : memref<1x100000xf32, #tpu.memory_space<hbm>> -> memref<100000xf32, #tpu.memory_space<hbm>>
      tpu.enqueue_dma source(%dma_start3A_77 : memref<100000xf32, #tpu.memory_space<hbm>>) target(%arg5 : memref<100000xf32, #tpu.memory_space<vmem>>) target_semaphore(%run_scoped3A : memref<!tpu.dma_semaphore, #tpu.memory_space<semaphore_mem>>)
      %dma_wait3A_78 = arith.constant 0 : i32
      %dma_wait3A_79 = tpu.memref_slice %arg3[%add3A_44, %dma_wait3A_78] : memref<64x100000xf32, #tpu.memory_space<hbm>> -> memref<1x100000xf32, #tpu.memory_space<hbm>>
      %dma_wait3A_80 = tpu.memref_squeeze %dma_wait3A_79 : memref<1x100000xf32, #tpu.memory_space<hbm>> -> memref<100000xf32, #tpu.memory_space<hbm>>
      %dma_wait3A_81 = arith.constant 0 : i32
      %dma_wait3A_82 = tpu.memref_slice %arg3[%add3A_44, %dma_wait3A_81] : memref<64x100000xf32, #tpu.memory_space<hbm>> -> memref<1x100000xf32, #tpu.memory_space<hbm>>
      %dma_wait3A_83 = tpu.memref_squeeze %dma_wait3A_82 : memref<1x100000xf32, #tpu.memory_space<hbm>> -> memref<100000xf32, #tpu.memory_space<hbm>>
      tpu.wait_dma2 semaphore(%run_scoped3A : memref<!tpu.dma_semaphore, #tpu.memory_space<semaphore_mem>>) src(%dma_wait3A_83 : memref<100000xf32, #tpu.memory_space<hbm>>) dst(%arg5 : memref<100000xf32, #tpu.memory_space<vmem>>)
      tpu.yield
    }) : () -> ()
    %dma_start3A_45 = arith.constant 0 : i32
    %dma_start3A_46 = tpu.memref_slice %arg10[%dma_start3A_45] : memref<204800xi32, #tpu.memory_space<vmem_shared>> -> memref<4096xi32, #tpu.memory_space<vmem_shared>>
    %dma_start3A_47 = arith.constant 0 : i32
    %dma_start3A_48 = tpu.memref_slice %arg10[%dma_start3A_47] : memref<204800xi32, #tpu.memory_space<vmem_shared>> -> memref<4096xi32, #tpu.memory_space<vmem_shared>>
    tpu.enqueue_dma source(%dma_start3A_48 : memref<4096xi32, #tpu.memory_space<vmem_shared>>) target(%arg6 : memref<4096xi32, #tpu.memory_space<vmem>>) target_semaphore(%arg11 : memref<!tpu.dma_semaphore, #tpu.memory_space<semaphore_mem>>)
    %dma_start3A_49 = arith.constant 4096 : i32
    %dma_start3A_50 = tpu.memref_slice %arg10[%dma_start3A_49] : memref<204800xi32, #tpu.memory_space<vmem_shared>> -> memref<4096xi32, #tpu.memory_space<vmem_shared>>
    %dma_start3A_51 = arith.constant 4096 : i32
    %dma_start3A_52 = tpu.memref_slice %arg10[%dma_start3A_51] : memref<204800xi32, #tpu.memory_space<vmem_shared>> -> memref<4096xi32, #tpu.memory_space<vmem_shared>>
    tpu.enqueue_dma source(%dma_start3A_52 : memref<4096xi32, #tpu.memory_space<vmem_shared>>) target(%arg7 : memref<4096xi32, #tpu.memory_space<vmem>>) target_semaphore(%arg12 : memref<!tpu.dma_semaphore, #tpu.memory_space<semaphore_mem>>)
    %scan3A_53 = arith.constant 0 : i32
    %scan3A_54 = arith.constant 25 : i32
    %scan3A_55 = arith.addi %scan3A_53, %scan3A_54 : i32
    %scan3A_56 = arith.constant 1 : i32
    scf.for %scan3A_72 = %scan3A_53 to %scan3A_55 step %scan3A_56  : i32 {
      %mul3A_73 = arith.constant 2 : i32
      %mul3A_74 = arith.muli %scan3A_72, %mul3A_73 : i32
      %add3A_75 = arith.constant 0 : i32
      %add3A_76 = arith.addi %add3A_75, %mul3A_74 : i32
      %add3A_77 = arith.constant 0 : i32
      %add3A_78 = arith.addi %add3A_76, %add3A_77 : i32
      %mul3A_79 = arith.constant 4096 : i32
      %mul3A_80 = arith.muli %add3A_78, %mul3A_79 : i32
      %dma_wait3A_81 = tpu.memref_slice %arg10[%mul3A_80] : memref<204800xi32, #tpu.memory_space<vmem_shared>> -> memref<4096xi32, #tpu.memory_space<vmem_shared>>
      %dma_wait3A_82 = tpu.memref_slice %arg10[%mul3A_80] : memref<204800xi32, #tpu.memory_space<vmem_shared>> -> memref<4096xi32, #tpu.memory_space<vmem_shared>>
      tpu.wait_dma2 semaphore(%arg11 : memref<!tpu.dma_semaphore, #tpu.memory_space<semaphore_mem>>) src(%dma_wait3A_82 : memref<4096xi32, #tpu.memory_space<vmem_shared>>) dst(%arg6 : memref<4096xi32, #tpu.memory_space<vmem>>)
      %ge3A = arith.constant 2 : i32
      %ge3A_83 = arith.cmpi sge, %add3A_76, %ge3A : i32
      %convert_element_type3A = arith.extui %ge3A_83 : i1 to i32
      %cond3A = arith.constant 0 : i32
      %cond3A_84 = arith.cmpi ne, %convert_element_type3A, %cond3A : i32
      scf.if %cond3A_84 {
        %sub3A = arith.constant 2 : i32
        %sub3A_126 = arith.subi %add3A_78, %sub3A : i32
        %dma_wait3A_127 = arith.constant 0 : i32
        %dma_wait3A_128 = tpu.memref_slice %arg4[%sub3A_126, %add3A_44, %dma_wait3A_127] : memref<50x64x4096xf32, #tpu.memory_space<hbm>> -> memref<1x1x4096xf32, #tpu.memory_space<hbm>>
        %dma_wait3A_129 = tpu.memref_squeeze %dma_wait3A_128 : memref<1x1x4096xf32, #tpu.memory_space<hbm>> -> memref<4096xf32, #tpu.memory_space<hbm>>
        %dma_wait3A_130 = arith.constant 0 : i32
        %dma_wait3A_131 = tpu.memref_slice %arg4[%sub3A_126, %add3A_44, %dma_wait3A_130] : memref<50x64x4096xf32, #tpu.memory_space<hbm>> -> memref<1x1x4096xf32, #tpu.memory_space<hbm>>
        %dma_wait3A_132 = tpu.memref_squeeze %dma_wait3A_131 : memref<1x1x4096xf32, #tpu.memory_space<hbm>> -> memref<4096xf32, #tpu.memory_space<hbm>>
        tpu.wait_dma2 semaphore(%arg13 : memref<!tpu.dma_semaphore, #tpu.memory_space<semaphore_mem>>) src(%arg8 : memref<4096xf32, #tpu.memory_space<vmem>>) dst(%dma_wait3A_132 : memref<4096xf32, #tpu.memory_space<hbm>>)
      } else {
      }
      %parallel_loop3A = arith.constant 0 : i32
      %parallel_loop3A_85 = arith.constant 256 : i32
      %parallel_loop3A_86 = arith.constant 1 : i32
      scf.for %parallel_loop3A_126 = %parallel_loop3A to %parallel_loop3A_85 step %parallel_loop3A_86  : i32 {
        %parallel_loop3A_127 = arith.constant 16 : i32
        %parallel_loop3A_128 = arith.muli %parallel_loop3A_126, %parallel_loop3A_127 : i32
        %parallel_loop3A_129 = arith.index_cast %parallel_loop3A_128 : i32 to index
        %parallel_loop3A_130 = tpu.vector_load %arg6[%parallel_loop3A_129] {strides = array<i32>} : memref<4096xi32, #tpu.memory_space<vmem>>, vector<16xi32>,
        %parallel_loop3A_131 = tpu.vector_load_idx %arg5[%parallel_loop3A_130] : memref<100000xf32, #tpu.memory_space<vmem>>[vector<16xi32>], vector<16xf32>,
        %parallel_loop3A_132 = arith.constant 16 : i32
        %parallel_loop3A_133 = arith.muli %parallel_loop3A_126, %parallel_loop3A_132 : i32
        %parallel_loop3A_134 = arith.index_cast %parallel_loop3A_133 : i32 to index
        %parallel_loop3A_135 = tpu.vector_load %arg8[%parallel_loop3A_134] {strides = array<i32>} : memref<4096xf32, #tpu.memory_space<vmem>>, vector<16xf32>,
        tpu.vector_store %arg8[%parallel_loop3A_134], %parallel_loop3A_131 {strides = array<i32>} : memref<4096xf32, #tpu.memory_space<vmem>>, vector<16xf32>,
      } {sc.loop_unroll_factor = 16 : i64, sc.parallel_access}
      %dma_start3A_87 = arith.constant 0 : i32
      %dma_start3A_88 = tpu.memref_slice %arg4[%add3A_78, %add3A_44, %dma_start3A_87] : memref<50x64x4096xf32, #tpu.memory_space<hbm>> -> memref<1x1x4096xf32, #tpu.memory_space<hbm>>
      %dma_start3A_89 = tpu.memref_squeeze %dma_start3A_88 : memref<1x1x4096xf32, #tpu.memory_space<hbm>> -> memref<4096xf32, #tpu.memory_space<hbm>>
      %dma_start3A_90 = arith.constant 0 : i32
      %dma_start3A_91 = tpu.memref_slice %arg4[%add3A_78, %add3A_44, %dma_start3A_90] : memref<50x64x4096xf32, #tpu.memory_space<hbm>> -> memref<1x1x4096xf32, #tpu.memory_space<hbm>>
      %dma_start3A_92 = tpu.memref_squeeze %dma_start3A_91 : memref<1x1x4096xf32, #tpu.memory_space<hbm>> -> memref<4096xf32, #tpu.memory_space<hbm>>
      tpu.enqueue_dma source(%arg8 : memref<4096xf32, #tpu.memory_space<vmem>>) target(%dma_start3A_92 : memref<4096xf32, #tpu.memory_space<hbm>>) target_semaphore(%arg13 : memref<!tpu.dma_semaphore, #tpu.memory_space<semaphore_mem>>)
      %add3A_93 = arith.constant 2 : i32
      %add3A_94 = arith.addi %add3A_78, %add3A_93 : i32
      %lt3A = arith.constant 50 : i32
      %lt3A_95 = arith.cmpi slt, %add3A_94, %lt3A : i32
      %convert_element_type3A_96 = arith.extui %lt3A_95 : i1 to i32
      %cond3A_97 = arith.constant 0 : i32
      %cond3A_98 = arith.cmpi ne, %convert_element_type3A_96, %cond3A_97 : i32
      scf.if %cond3A_98 {
        %add3A_126 = arith.constant 2 : i32
        %add3A_127 = arith.addi %add3A_78, %add3A_126 : i32
        %mul3A_128 = arith.constant 4096 : i32
        %mul3A_129 = arith.muli %add3A_127, %mul3A_128 : i32
        %dma_start3A_130 = tpu.memref_slice %arg10[%mul3A_129] : memref<204800xi32, #tpu.memory_space<vmem_shared>> -> memref<4096xi32, #tpu.memory_space<vmem_shared>>
        %dma_start3A_131 = tpu.memref_slice %arg10[%mul3A_129] : memref<204800xi32, #tpu.memory_space<vmem_shared>> -> memref<4096xi32, #tpu.memory_space<vmem_shared>>
        tpu.enqueue_dma source(%dma_start3A_131 : memref<4096xi32, #tpu.memory_space<vmem_shared>>) target(%arg6 : memref<4096xi32, #tpu.memory_space<vmem>>) target_semaphore(%arg11 : memref<!tpu.dma_semaphore, #tpu.memory_space<semaphore_mem>>)
      } else {
      }
      %add3A_99 = arith.constant 1 : i32
      %add3A_100 = arith.addi %add3A_76, %add3A_99 : i32
      %mul3A_101 = arith.constant 4096 : i32
      %mul3A_102 = arith.muli %add3A_100, %mul3A_101 : i32
      %dma_wait3A_103 = tpu.memref_slice %arg10[%mul3A_102] : memref<204800xi32, #tpu.memory_space<vmem_shared>> -> memref<4096xi32, #tpu.memory_space<vmem_shared>>
      %dma_wait3A_104 = tpu.memref_slice %arg10[%mul3A_102] : memref<204800xi32, #tpu.memory_space<vmem_shared>> -> memref<4096xi32, #tpu.memory_space<vmem_shared>>
      tpu.wait_dma2 semaphore(%arg12 : memref<!tpu.dma_semaphore, #tpu.memory_space<semaphore_mem>>) src(%dma_wait3A_104 : memref<4096xi32, #tpu.memory_space<vmem_shared>>) dst(%arg7 : memref<4096xi32, #tpu.memory_space<vmem>>)
      %ge3A_105 = arith.constant 2 : i32
      %ge3A_106 = arith.cmpi sge, %add3A_76, %ge3A_105 : i32
      %convert_element_type3A_107 = arith.extui %ge3A_106 : i1 to i32
      %cond3A_108 = arith.constant 0 : i32
      %cond3A_109 = arith.cmpi ne, %convert_element_type3A_107, %cond3A_108 : i32
      scf.if %cond3A_109 {
        %sub3A = arith.constant 2 : i32
        %sub3A_126 = arith.subi %add3A_100, %sub3A : i32
        %dma_wait3A_127 = arith.constant 0 : i32
        %dma_wait3A_128 = tpu.memref_slice %arg4[%sub3A_126, %add3A_44, %dma_wait3A_127] : memref<50x64x4096xf32, #tpu.memory_space<hbm>> -> memref<1x1x4096xf32, #tpu.memory_space<hbm>>
        %dma_wait3A_129 = tpu.memref_squeeze %dma_wait3A_128 : memref<1x1x4096xf32, #tpu.memory_space<hbm>> -> memref<4096xf32, #tpu.memory_space<hbm>>
        %dma_wait3A_130 = arith.constant 0 : i32
        %dma_wait3A_131 = tpu.memref_slice %arg4[%sub3A_126, %add3A_44, %dma_wait3A_130] : memref<50x64x4096xf32, #tpu.memory_space<hbm>> -> memref<1x1x4096xf32, #tpu.memory_space<hbm>>
        %dma_wait3A_132 = tpu.memref_squeeze %dma_wait3A_131 : memref<1x1x4096xf32, #tpu.memory_space<hbm>> -> memref<4096xf32, #tpu.memory_space<hbm>>
        tpu.wait_dma2 semaphore(%arg14 : memref<!tpu.dma_semaphore, #tpu.memory_space<semaphore_mem>>) src(%arg9 : memref<4096xf32, #tpu.memory_space<vmem>>) dst(%dma_wait3A_132 : memref<4096xf32, #tpu.memory_space<hbm>>)
      } else {
      }
      %parallel_loop3A_110 = arith.constant 0 : i32
      %parallel_loop3A_111 = arith.constant 256 : i32
      %parallel_loop3A_112 = arith.constant 1 : i32
      scf.for %parallel_loop3A_126 = %parallel_loop3A_110 to %parallel_loop3A_111 step %parallel_loop3A_112  : i32 {
        %parallel_loop3A_127 = arith.constant 16 : i32
        %parallel_loop3A_128 = arith.muli %parallel_loop3A_126, %parallel_loop3A_127 : i32
        %parallel_loop3A_129 = arith.index_cast %parallel_loop3A_128 : i32 to index
        %parallel_loop3A_130 = tpu.vector_load %arg7[%parallel_loop3A_129] {strides = array<i32>} : memref<4096xi32, #tpu.memory_space<vmem>>, vector<16xi32>,
        %parallel_loop3A_131 = tpu.vector_load_idx %arg5[%parallel_loop3A_130] : memref<100000xf32, #tpu.memory_space<vmem>>[vector<16xi32>], vector<16xf32>,
        %parallel_loop3A_132 = arith.constant 16 : i32
        %parallel_loop3A_133 = arith.muli %parallel_loop3A_126, %parallel_loop3A_132 : i32
        %parallel_loop3A_134 = arith.index_cast %parallel_loop3A_133 : i32 to index
        %parallel_loop3A_135 = tpu.vector_load %arg9[%parallel_loop3A_134] {strides = array<i32>} : memref<4096xf32, #tpu.memory_space<vmem>>, vector<16xf32>,
        tpu.vector_store %arg9[%parallel_loop3A_134], %parallel_loop3A_131 {strides = array<i32>} : memref<4096xf32, #tpu.memory_space<vmem>>, vector<16xf32>,
      } {sc.loop_unroll_factor = 16 : i64, sc.parallel_access}
      %dma_start3A_113 = arith.constant 0 : i32
      %dma_start3A_114 = tpu.memref_slice %arg4[%add3A_100, %add3A_44, %dma_start3A_113] : memref<50x64x4096xf32, #tpu.memory_space<hbm>> -> memref<1x1x4096xf32, #tpu.memory_space<hbm>>
      %dma_start3A_115 = tpu.memref_squeeze %dma_start3A_114 : memref<1x1x4096xf32, #tpu.memory_space<hbm>> -> memref<4096xf32, #tpu.memory_space<hbm>>
      %dma_start3A_116 = arith.constant 0 : i32
      %dma_start3A_117 = tpu.memref_slice %arg4[%add3A_100, %add3A_44, %dma_start3A_116] : memref<50x64x4096xf32, #tpu.memory_space<hbm>> -> memref<1x1x4096xf32, #tpu.memory_space<hbm>>
      %dma_start3A_118 = tpu.memref_squeeze %dma_start3A_117 : memref<1x1x4096xf32, #tpu.memory_space<hbm>> -> memref<4096xf32, #tpu.memory_space<hbm>>
      tpu.enqueue_dma source(%arg9 : memref<4096xf32, #tpu.memory_space<vmem>>) target(%dma_start3A_118 : memref<4096xf32, #tpu.memory_space<hbm>>) target_semaphore(%arg14 : memref<!tpu.dma_semaphore, #tpu.memory_space<semaphore_mem>>)
      %add3A_119 = arith.constant 2 : i32
      %add3A_120 = arith.addi %add3A_100, %add3A_119 : i32
      %lt3A_121 = arith.constant 50 : i32
      %lt3A_122 = arith.cmpi slt, %add3A_120, %lt3A_121 : i32
      %convert_element_type3A_123 = arith.extui %lt3A_122 : i1 to i32
      %cond3A_124 = arith.constant 0 : i32
      %cond3A_125 = arith.cmpi ne, %convert_element_type3A_123, %cond3A_124 : i32
      scf.if %cond3A_125 {
        %add3A_126 = arith.constant 2 : i32
        %add3A_127 = arith.addi %add3A_100, %add3A_126 : i32
        %mul3A_128 = arith.constant 4096 : i32
        %mul3A_129 = arith.muli %add3A_127, %mul3A_128 : i32
        %dma_start3A_130 = tpu.memref_slice %arg10[%mul3A_129] : memref<204800xi32, #tpu.memory_space<vmem_shared>> -> memref<4096xi32, #tpu.memory_space<vmem_shared>>
        %dma_start3A_131 = tpu.memref_slice %arg10[%mul3A_129] : memref<204800xi32, #tpu.memory_space<vmem_shared>> -> memref<4096xi32, #tpu.memory_space<vmem_shared>>
        tpu.enqueue_dma source(%dma_start3A_131 : memref<4096xi32, #tpu.memory_space<vmem_shared>>) target(%arg7 : memref<4096xi32, #tpu.memory_space<vmem>>) target_semaphore(%arg12 : memref<!tpu.dma_semaphore, #tpu.memory_space<semaphore_mem>>)
      } else {
      }
    }
    %scan3A_57 = arith.constant 25 : i32
    %dma_wait3A_58 = arith.constant 48 : i32
    %dma_wait3A_59 = arith.constant 0 : i32
    %dma_wait3A_60 = tpu.memref_slice %arg4[%dma_wait3A_58, %add3A_44, %dma_wait3A_59] : memref<50x64x4096xf32, #tpu.memory_space<hbm>> -> memref<1x1x4096xf32, #tpu.memory_space<hbm>>
    %dma_wait3A_61 = tpu.memref_squeeze %dma_wait3A_60 : memref<1x1x4096xf32, #tpu.memory_space<hbm>> -> memref<4096xf32, #tpu.memory_space<hbm>>
    %dma_wait3A_62 = arith.constant 0 : i32
    %dma_wait3A_63 = tpu.memref_slice %arg4[%dma_wait3A_58, %add3A_44, %dma_wait3A_62] : memref<50x64x4096xf32, #tpu.memory_space<hbm>> -> memref<1x1x4096xf32, #tpu.memory_space<hbm>>
    %dma_wait3A_64 = tpu.memref_squeeze %dma_wait3A_63 : memref<1x1x4096xf32, #tpu.memory_space<hbm>> -> memref<4096xf32, #tpu.memory_space<hbm>>
    tpu.wait_dma2 semaphore(%arg13 : memref<!tpu.dma_semaphore, #tpu.memory_space<semaphore_mem>>) src(%arg8 : memref<4096xf32, #tpu.memory_space<vmem>>) dst(%dma_wait3A_64 : memref<4096xf32, #tpu.memory_space<hbm>>)
    %dma_wait3A_65 = arith.constant 49 : i32
    %dma_wait3A_66 = arith.constant 0 : i32
    %dma_wait3A_67 = tpu.memref_slice %arg4[%dma_wait3A_65, %add3A_44, %dma_wait3A_66] : memref<50x64x4096xf32, #tpu.memory_space<hbm>> -> memref<1x1x4096xf32, #tpu.memory_space<hbm>>
    %dma_wait3A_68 = tpu.memref_squeeze %dma_wait3A_67 : memref<1x1x4096xf32, #tpu.memory_space<hbm>> -> memref<4096xf32, #tpu.memory_space<hbm>>
    %dma_wait3A_69 = arith.constant 0 : i32
    %dma_wait3A_70 = tpu.memref_slice %arg4[%dma_wait3A_65, %add3A_44, %dma_wait3A_69] : memref<50x64x4096xf32, #tpu.memory_space<hbm>> -> memref<1x1x4096xf32, #tpu.memory_space<hbm>>
    %dma_wait3A_71 = tpu.memref_squeeze %dma_wait3A_70 : memref<1x1x4096xf32, #tpu.memory_space<hbm>> -> memref<4096xf32, #tpu.memory_space<hbm>>
    tpu.wait_dma2 semaphore(%arg14 : memref<!tpu.dma_semaphore, #tpu.memory_space<semaphore_mem>>) src(%arg9 : memref<4096xf32, #tpu.memory_space<vmem>>) dst(%dma_wait3A_71 : memref<4096xf32, #tpu.memory_space<hbm>>)
    return
  }
}

</mosaic_0001>

<sc_bundles>
// kernel: kernel.3.cloned.1.call-start
scs
__scs_entry_jumppad:
0x0: {  	(pc) =	sbr.rel $0x88, $3  }
0x1: {  	(tag) =	ssettag $0x0;
	lr =	simm.s32 $0x1  }
0x2: {  	[smem:$0x3F9F] =	sst lr;
	_ =	strace $0xD0000000  }
0x3: {  	_ = 	snop  }
0x4: {  	_ = 	snop  }
0x5: {  	_ = 	snop  }
0x6: {  	_ = 	snop  }
0x7: {  	_ = 	snop  }
__scs_overlays_trampoline_lowered:
0x8: {  	[smem:$0x3FAE] =	sst s0  }
0x9: {  	[smem:$0x3FAF] =	sst s1  }
0xa: {  	[smem:$0x3FB0] =	sst s2  }
0xb: {  	[smem:$0x3FB1] =	sst s3  }
0xc: {  	[smem:$0x3FB2] =	sst s4  }
0xd: {  	[smem:$0x3FB3] =	sst s5  }
0xe: {  	[smem:$0x3FB4] =	sst s6  }
0xf: {  	[smem:$0x3FB5] =	sst s7  }
0x10: {  	[smem:$0x3FB6] =	sst s8  }
0x11: {  	[smem:$0x3FB7] =	sst s9;
	s0 =	simm.s32 @!p0 $0x0  }
0x12: {  	s1 =	sld [smem:$0x3F9D];
	s0 =	simm.s32 @p0 $0x1  }
0x13: {  	[smem:$0x3FB8] =	sst s0;
	s0 =	simm.s32 @!p1 $0x0  }
0x14: {  	s2 =	sld [smem:$0x3F9C];
	s0 =	simm.s32 @p1 $0x1  }
0x15: {  	[smem:$0x3FB9] =	sst s0;
	s0 =	simm.s32 @!p2 $0x0  }
0x16: {  	s3 =	sld [smem:$0x3FDB];
	s0 =	simm.s32 @p2 $0x1  }
0x17: {  	s4 =	simm.s32 $0x1BF5;
	[smem:$0x3FBB] =	sst s0  }
0x18: {  	s0 =	sld [smem:$0x3F9E];
	_ =	swait.ge [sflag:s4], $0x0  }
0x19: {  	s7 =	sld [smem:$0x3F9F]  }
0x1a: {  	s8 =	sadd.s32 $0xFFFFE003, lr  }
0x1b: {  	s9 =	sadd.s32 $0xFFFFFEF7, lr;
	s5 =	simm.s32 $0xFFFFFFFF;
	p2 =	slt.u32 s8, $0xFFFFF086  }
0x1c: {  	p1 =	slt.u32 s9, $0xF7A;
	s5 =	simm.s32 @!p2 $0x0  }
0x1d: {  	s5 =	simm.s32 @p1 $0x1;
	p0 =	seq.s32 s7, s2  }
0x1e: {  	s7 =	smul.u32 @!p0 $0xF7A, s2;
	p2 =	seq.s32 @!p0 s5, $0x0  }
0x1f: {  	s9 =	smul.u32 $0xF7A, s1;
	s8 =	simm.s32 @!p0 $0x1BF5;
	p2 =	por !p2, p0  }
0x20: {  	[sflag:s8] =	ssyncset.s32 @!p0 $0xFFFFF086;
	s6 =	sadd.s32 @!p0 s3, s7;
	s7 =	simm.s32 @!p0 $0x108  }
0x21: {  	s3 =	sadd.s32 s3, s9;
	s6 =	sadd.s32 @!p0 $0x88, s6;
	s7 =	simm.s32 @p2 $0x1082  }
0x22: {  	[simem:s7], [sflag:s8] =	dma.local @!p0 [hbm:s6], $0xF7A  }
0x23: {  	s9 =	sor.u32 $0xD0000000, s2;
	s6 =	simm.s32 $0x108;
	_ =	swait.ge @!p0 [sflag:s8], $0x0  }
0x24: {  	s3 =	sadd.s32 $0x88, s3;
	s6 =	simm.s32 @!p1 $0x1082;
	[sflag:s4] =	ssyncset.s32 $0xFFFFF086  }
0x25: {  	[simem:s6], [sflag:s4] =	dma.local [hbm:s3], $0xF7A  }
0x26: {  	[smem:$0x3F9F] =	sst s1;
	(tag) =	ssettag s2;
	_ =	strace s9  }
0x27: {  	s1 =	sld [smem:$0x3FAF]  }
0x28: {  	s2 =	sld [smem:$0x3FB0]  }
0x29: {  	s4 =	sld [smem:$0x3FB2]  }
0x2a: {  	p0 =	seq.s32 s5, $0x0;
	s5 =	sld [smem:$0x3FB3]  }
0x2b: {  	s6 =	sld [smem:$0x3FB4]  }
0x2c: {  	s7 =	sld [smem:$0x3FB5]  }
0x2d: {  	s3 =	simm.s32 $0x108;
	s8 =	sld [smem:$0x3FB6]  }
0x2e: {  	s3 =	simm.s32 @!p0 $0x1082;
	s9 =	sld [smem:$0x3FB7]  }
0x2f: {  	lr =	sadd.s32 s0, s3;
	s0 =	sld [smem:$0x3FAE]  }
0x30: {  	s3 =	sld [smem:$0x3FB1]  }
0x31: {  	[smem:$0x3FBA] =	sst s10  }
0x32: {  	s10 =	sld [smem:$0x3FB8];
	_ =	sdelay $0x3  }
0x33: {  	p0 =	seq.s32 s10, $0x1;
	s10 =	sld [smem:$0x3FBA];
	_ =	sdelay $0x3  }
0x34: {  	[smem:$0x3FBA] =	sst s10  }
0x35: {  	s10 =	sld [smem:$0x3FB9];
	_ =	sdelay $0x3  }
0x36: {  	p1 =	seq.s32 s10, $0x1;
	s10 =	sld [smem:$0x3FBA];
	_ =	sdelay $0x3  }
0x37: {  	[smem:$0x3FBA] =	sst s10  }
0x38: {  	s10 =	sld [smem:$0x3FBB]  }
0x39: {  	_ = 	snop;
	(pc) =	sbr.ind lr, $3  }
0x3a: {  	_ = 	snop  }
0x3b: {  	_ = 	snop  }
0x3c: {  	p2 =	seq.s32 s10, $0x1;
	s10 =	sld [smem:$0x3FBA]  }
0x3d: {  	_ =	shalt  }
0x3e: {  	_ =	shalt  }
0x3f: {  	_ =	shalt  }
0x40: {  	_ =	shalt  }
0x41: {  	_ =	shalt  }
0x42: {  	_ =	shalt  }
0x43: {  	_ =	shalt  }
0x44: {  	_ =	shalt  }
0x45: {  	_ =	shalt  }
0x46: {  	_ =	shalt  }
0x47: {  	_ =	shalt  }
0x48: {  	_ =	shalt  }
0x49: {  	_ =	shalt  }
0x4a: {  	_ =	shalt  }
0x4b: {  	_ =	shalt  }
0x4c: {  	_ =	shalt  }
0x4d: {  	_ =	shalt  }
0x4e: {  	_ =	shalt  }
0x4f: {  	_ =	shalt  }
0x50: {  	_ =	shalt  }
0x51: {  	_ =	shalt  }
0x52: {  	_ =	shalt  }
0x53: {  	_ =	shalt  }
0x54: {  	_ =	shalt  }
0x55: {  	_ =	shalt  }
0x56: {  	_ =	shalt  }
0x57: {  	_ =	shalt  }
0x58: {  	_ =	shalt  }
0x59: {  	_ =	shalt  }
0x5a: {  	_ =	shalt  }
0x5b: {  	_ =	shalt  }
0x5c: {  	_ =	shalt  }
0x5d: {  	_ =	shalt  }
0x5e: {  	_ =	shalt  }
0x5f: {  	_ =	shalt  }
0x60: {  	_ =	shalt  }
0x61: {  	_ =	shalt  }
0x62: {  	_ =	shalt  }
0x63: {  	_ =	shalt  }
0x64: {  	_ =	shalt  }
0x65: {  	_ =	shalt  }
0x66: {  	_ =	shalt  }
0x67: {  	_ =	shalt  }
0x68: {  	_ =	shalt  }
0x69: {  	_ =	shalt  }
0x6a: {  	_ =	shalt  }
0x6b: {  	_ =	shalt  }
0x6c: {  	_ =	shalt  }
0x6d: {  	_ =	shalt  }
0x6e: {  	_ =	shalt  }
0x6f: {  	_ =	shalt  }
0x70: {  	_ =	shalt  }
0x71: {  	_ =	shalt  }
0x72: {  	_ =	shalt  }
0x73: {  	_ =	shalt  }
0x74: {  	_ =	shalt  }
0x75: {  	_ =	shalt  }
0x76: {  	_ =	shalt  }
0x77: {  	_ =	shalt  }
0x78: {  	_ =	shalt  }
0x79: {  	_ =	shalt  }
0x7a: {  	_ =	shalt  }
0x7b: {  	_ =	shalt  }
0x7c: {  	_ =	shalt  }
0x7d: {  	_ =	shalt  }
0x7e: {  	_ =	shalt  }
0x7f: {  	_ =	shalt  }
0x80: {  	_ =	shalt  }
0x81: {  	_ =	shalt  }
0x82: {  	_ =	shalt  }
0x83: {  	_ =	shalt  }
0x84: {  	_ =	shalt  }
0x85: {  	_ =	shalt  }
0x86: {  	_ =	shalt  }
0x87: {  	_ =	shalt  }
.Lfunc_end0:
.L_simem_size_0:
called_computation_lowered:
.L_overlay_start_0:
0x88: {  	s2 =	sld [smem:$0x3FD9]  }
0x89: {  	s3 =	sld [smem:$0x3FFE];
	_ =	sdelay $0x1  }
0x8a: {  	s1 =	srdreg.scid  }
0x8b: {  	s0 =	sand.u32 $0x1, s1  }
0x8c: {  	s17 =	sshll.u32 s0, $0xA;
	s2 =	sadd.s32 s3, s2  }
0x8d: {  	s2 =	sadd.s32 s2, s17  }
0x8e: {  	[smem:$0x3FC6] =	sst s2  }
0x8f: {  	_ = 	snop  }
0x90: {  	s2 =	sld [smem:$0x3FC8]  }
0x91: {  	s18 =	sld [smem:$0x3FD0];
	(tm) =	ssettm $0x1  }
0x92: {  	s4 =	sld [smem:$0x3FFB];
	_ =	sdelay $0x3  }
0x93: {  	_ =	strace s4  }
0x94: {  	s4 =	sld [smem:$0x3FFC];
	_ =	sdelay $0x3  }
0x95: {  	_ =	strace s4  }
0x96: {  	s4 =	sld [smem:$0x3FFD];
	_ =	sdelay $0x3  }
0x97: {  	_ =	strace s4  }
0x98: {  	_ =	strace $0x8FFFFFFF  }
0x99: {  	s19 =	sld [smem:$0x3FDB];
	_ =	sdelay $0x1  }
0x9a: {  	s5 =	simm.s32 $_scs_section_size  }
0x9b: {  	s6 =	simm.s32 $_size__tile_overlayer_lowered;
	s7 =	simm.s32 $_tile_overlayer_lowered  }
0x9c: {  	s22 =	simm.s32 $0x1BFF;
	s21 =	sshll.u32 s7, $0x1;
	s4 =	sadd.s32 s5, s19  }
0x9d: {  	s8 =	simm.s32 $0x0;
	s20 =	sshll.u32 s6, $0x1;
	s6 =	sadd.s32 s21, s4  }
0x9e: {  	[timem:s8], [sflag:s22] =	dma.local [hbm:s6], s20  }
0x9f: {  	_ =	swait.ge [sflag:s22], s20  }
0xa0: {  	s5 =	ssub.s32 $0x0, s20;
	[sflag:s22] =	ssyncset.done $0x0  }
0xa1: {  	[sflag:s22] =	ssyncadd.s32 s5;
	_ =	sdelay $0x1  }
0xa2: {  	s23 =	simm.s32 $0x1B8B  }
0xa3: {  	_ =	swait.ge [sflag:s23], $0x1  }
0xa4: {  	[sflag:s23] =	ssyncset.done $0x0  }
0xa5: {  	s25 =	simm.s32 $0x1B8E;
	s24 =	sld [smem:$0x3FFE];
	[sflag:s23] =	ssyncadd.s32 $0xFFFFFFFF  }
0xa6: {  	s26 =	simm.s32 $execute0_lowered;
	[smem:$0x3FD2] =	sst s25  }
0xa7: {  	s6 =	sshll.u32 s26, $0x1;
	_ =	strace $0x80000046;
	[dreg:$0x1] =	wrdreg $0xFFFFFFFF  }
0xa8: {  	s28 =	simm.s32 $_size_execute0_lowered;
	s4 =	sadd.s32 s4, s6;
	[dreg:$0x0] =	wrdreg $0x0  }
0xa9: {  	s6 =	sshll.u32 s28, $0x1;
	[dreg:$0x2] =	wrdreg s4  }
0xaa: {  	[dreg:$0x3] =	wrdreg s6  }
0xab: {  	[dreg:$0x4] =	wrdreg $0xC0  }
0xac: {  	_ =	task [dreg:s8], $0x5FFFF  }
0xad: {  	[dreg:$0x1] =	wrdreg $0xFFFFFFFF  }
0xae: {  	[dreg:$0x0] =	wrdreg $0x60  }
0xaf: {  	[dreg:$0x2] =	wrdreg s24  }
0xb0: {  	[dreg:$0x3] =	wrdreg s2  }
0xb1: {  	[dreg:$0x4] =	wrdreg s18  }
0xb2: {  	[dreg:$0x5] =	wrdreg $0x1C7000  }
0xb3: {  	[dreg:$0x6] =	wrdreg $0x9  }
0xb4: {  	_ =	task.clear_ibuf [dreg:s8], $0x7FFFF;
	_ =	strace $0x90000046  }
0xb5: {  	s29 =	simm.s32 $0x9;
	_ =	strace $0x80000048  }
0xb6: {  	_ =	swait.ge [sflag:s29], $0x1  }
0xb7: {  	[sflag:s29] =	ssyncadd.s32 $0xFFFFFFFF  }
0xb8: {  	_ =	strace $0x90000048  }
0xb9: {  	_ =	sfence  }
0xba: {  	s30 =	sld [smem:$0x0];
	_ =	sdelay $0x2  }
0xbb: {  	s31 =	sshll.u32 s1, $0xD;
	s1 =	sshrl.u32 s1, $0x2  }
0xbc: {  	s3 =	sand.u32 $0x4000, s31;
	s1 =	sadd.s32 s1, s30  }
0xbd: {  	s0 =	sor.u32 s3, s0;
	s1 =	sshll.u32 s1, $0x11  }
0xbe: {  	s0 =	sor.u32 s1, s0  }
0xbf: {  	s0 =	sadd.s32 $0x8F2B, s0  }
0xc0: {  	[sflag:s0] =	ssyncadd.remote.s32 $0x1  }
0xc1: {  	_ =	sfence.sel $0xFFFF  }
0xc2: {  	[dreg:$0x0] =	wrdreg $0xFFFFFFFF;
	(pc) =	sbr.abs _section_cstart, $3  }
0xc3: {  	[dreg:$0x1] =	wrdreg $0xFFFFFFFF  }
0xc4: {  	_ =	task.clear_ibuf [dreg:s8], $0x2FFFF;
	_ =	strace $0x9FFFFFFF  }
0xc5: {  	(tm) =	ssettm $0x7FFFFFFF  }
tec
execute0_lowered:
.L_overlay_start_1:
0x0: {  	(tag) =	ssettag $0x1  }
0x1: {  	s0 =	rddreg [dreg:$0x0]  }
0x2: {  	s1 =	rddreg [dreg:$0x1]  }
0x3: {  	s2 =	rddreg [dreg:$0x2]  }
0x4: {  	s3 =	rddreg [dreg:$0x3];
	s12 =	stileid.u32  }
0x5: {  	s4 =	simm.s32 $0x0;
	s7 =	srdreg.scid;
	s15 =	simm.s32 $0x80  }
0x6: {  	s16 =	simm.s32 $0x400;
	s18 =	simm.s32 $0x6;
	s19 =	simm.s32 $0x5  }
0x7: {  	s20 =	simm.s32 $0x18700;
	s21 =	simm.s32 $0x19700;
	s22 =	simm.s32 $0x1  }
0x8: {  	s23 =	simm.s32 $0x1A700;
	s28 =	simm.s32 $0x3;
	s29 =	simm.s32 $0x0  }
0x9: {  	s6 =	smul.u32 $0x3200, s12;
	[smem:$0x7FF] =	sst s4;
	s7 =	sand.u32 $0x1, s7  }
0xa: {  	s10 =	sshrl.u32 s12, $0x2;
	s8 =	sshll.u32 s12, $0x8;
	s30 =	sshll.u32 s12, $0x6  }
0xb: {  	_ =	strace $0x80000047;
	s9 =	sshll.u32 s7, $0x7;
	s8 =	sand.u32 $0x300, s8  }
0xc: {  	s11 =	smul.u32 $0xC3800, s10;
	s7 =	ssub.s32 $0x2, s7;
	s13 =	sor.u32 $0x4, s10  }
0xd: {  	s10 =	sshll.u32 s10, $0xF;
	s5 =	sshrl.u32 s6, $0x3;
	s24 =	sshrl.u32 s7, $0x1  }
0xe: {  	s26 =	smul.u32 $0xC3800, s13;
	s6 =	sadd.s32 s6, s3;
	s13 =	sshll.u32 s13, $0xF  }
0xf: {  	s0 =	sadd.s32 s5, s0;
	s5 =	sor.u32 s9, s8;
	s7 =	ssub.s32 s7, s24  }
0x10: {  	s17 =	sshrl.u32 s6, $0x3;
	s24 =	simm.s32 $0x2;
	s9 =	sor.u32 s11, s5  }
.Ltmp0:
0x11: {  	s0 =	sadd.s32 $0x400, s0;
	s31 =	sor.u32 s5, s26;
	(pc) =	sbr.rel .LBB2_1-.Ltmp0, $4  }
0x12: {  	s11 =	sadd.s32 $0x8000, s2;
	s14 =	smax.u32 s7, $0x1;
	s26 =	simm.s32 $0x1B700  }
0x13: {  	s25 =	sshrl.u32 s9, $0x3;
	[dreg:$0x6] =	wrdreg s0;
	s0 =	sshrl.u32 s31, $0x3  }
0x14: {  	s9 =	sadd.s32 $0x1000, s3;
	s8 =	sadd.s32 s1, s25;
	s12 =	sadd.s32 s1, s0  }
0x15: {  	s25 =	simm.s32 $0x4;
	[dreg:$0x5] =	wrdreg s8;
	s8 =	sor.u32 $0x1C06, s30  }
.LBB2_23:
0x16: {  	s29 =	sadd.s32 $0x1, s29  }
0x17: {  	_ =	swait.ge [sflag:s28], $0x1000;
	p0 =	sne.s32 s29, s14  }
.Ltmp1:
0x18: {  	[sflag:s28] =	ssyncset.done $0x0;
	(pc) =	sbr.rel @!p0 .LBB2_24-.Ltmp1, $4  }
0x19: {  	[sflag:s28] =	ssyncadd.s32 $0xFFFFF000  }
0x1a: {  	_ =	swait.ge [sflag:s25], $0x1000  }
0x1b: {  	[sflag:s25] =	ssyncset.done $0x0  }
0x1c: {  	[sflag:s25] =	ssyncadd.s32 $0xFFFFF000  }
.LBB2_1:
0x1d: {  	s0 =	rddreg [dreg:$0x5]  }
0x1e: {  	s31 =	rddreg [dreg:$0x6]  }
0x1f: {  	[tilespmem:s4], [sflag:$0x5] =	stream.strided.gather [hbm4b:s0+s15], $0x18700, s16, s15, $0x38;
	[tilespmem:$0x1F900] =	vst v63  }
0x20: {  	[spmem:s17], [sflag:s8] =	dma.local [hbm:s31], $0x640  }
0x21: {  	_ =	swait.ge [sflag:s18], $0x640  }
0x22: {  	[sflag:s18] =	ssyncset.done $0x0  }
0x23: {  	[sflag:s18] =	ssyncadd.s32 $0xFFFFF9C0  }
0x24: {  	[bflag:$0x0] =	sbarrier.arrive $0xFFFF  }
0x25: {  	_ =	swait.ge [sflag:s19], $0x18700  }
0x26: {  	[sflag:s19] =	ssyncset.done $0x0  }
0x27: {  	[sflag:s19] =	ssyncadd.s32 $0xFFFE7900  }
0x28: {  	[tilespmem:s20], [sflag:$0x1] =	stream.linear.gather [spmem:s3], $0x1000, $0x38;
	[tilespmem:$0x1F900] =	vst v63  }
0x29: {  	s30 =	simm.s32 $0x0  }
0x2a: {  	[tilespmem:s21], [sflag:$0x2] =	stream.linear.gather [spmem:s9], $0x1000, $0x38;
	[tilespmem:$0x1F900] =	vst v63  }
.LBB2_2:
0x2b: {  	_ =	swait.ge [sflag:s22], $0x1000  }
0x2c: {  	p0 =	seq.s32 s30, $0x0;
	[sflag:s22] =	ssyncset.done $0x0  }
0x2d: {  	s0 =	simm.s32 @!p0 $0x3;
	[sflag:s22] =	ssyncadd.s32 $0xFFFFF000  }
0x2e: {  	_ =	swait.ge @!p0 [sflag:s0], $0x1000  }
0x2f: {  	[sflag:s0] =	ssyncset.done @!p0 $0x0  }
0x30: {  	s7 =	simm.s32 $0x18780;
	[sflag:s0] =	ssyncadd.s32 @!p0 $0xFFFFF000  }
0x31: {  	v0 =	vld [tilespmem:s7+$0x70]  }
0x32: {  	v1 =	vld [tilespmem:s7+$0xFFFFFF90]  }
0x33: {  	v2 =	vld [tilespmem:s7+$0xFFFFFFA0]  }
0x34: {  	v3 =	vld [tilespmem:s7+$0xFFFFFFB0]  }
0x35: {  	v4 =	vld [tilespmem:s7+$0xFFFFFFC0]  }
0x36: {  	v5 =	vld [tilespmem:s7+$0xFFFFFFD0]  }
0x37: {  	v6 =	vld [tilespmem:s7+$0xFFFFFFE0]  }
0x38: {  	v7 =	vld [tilespmem:s7+$0xFFFFFFF0]  }
0x39: {  	v8 =	vld [tilespmem:s7+$0x0]  }
0x3a: {  	v9 =	vld [tilespmem:s7+$0x10]  }
0x3b: {  	v10 =	vld [tilespmem:s7+$0x20]  }
0x3c: {  	v11 =	vld [tilespmem:s7+$0x30]  }
0x3d: {  	v12 =	vld [tilespmem:s7+$0x40]  }
0x3e: {  	v13 =	vld [tilespmem:s7+$0x50]  }
0x3f: {  	v14 =	vld [tilespmem:s7+$0x60]  }
0x40: {  	v15 =	vld [tilespmem:s7+$0xFFFFFF80]  }
0x41: {  	v0 =	vld.idx.msk [tilespmem:v0+s4+$0x0], $0xffff  }
0x42: {  	v1 =	vld.idx.msk [tilespmem:v1+s4+$0x0], $0xffff  }
0x43: {  	v2 =	vld.idx.msk [tilespmem:v2+s4+$0x0], $0xffff  }
0x44: {  	v3 =	vld.idx.msk [tilespmem:v3+s4+$0x0], $0xffff  }
0x45: {  	v4 =	vld.idx.msk [tilespmem:v4+s4+$0x0], $0xffff  }
0x46: {  	s1 =	simm.s32 $0x1A780;
	v5 =	vld.idx.msk [tilespmem:v5+s4+$0x0], $0xffff  }
0x47: {  	v6 =	vld.idx.msk [tilespmem:v6+s4+$0x0], $0xffff;
	[tilespmem:s1+$0x70] =	vst v0  }
0x48: {  	v7 =	vld.idx.msk [tilespmem:v7+s4+$0x0], $0xffff;
	[tilespmem:s1+$0xFFFFFF90] =	vst v1  }
0x49: {  	v15 =	vld.idx.msk [tilespmem:v15+s4+$0x0], $0xffff;
	[tilespmem:s1+$0xFFFFFFA0] =	vst v2  }
0x4a: {  	v8 =	vld.idx.msk [tilespmem:v8+s4+$0x0], $0xffff;
	[tilespmem:s1+$0xFFFFFFB0] =	vst v3  }
0x4b: {  	[tilespmem:s1+$0xFFFFFFC0] =	vst v4;
	v0 =	vld.idx.msk [tilespmem:v9+s4+$0x0], $0xffff  }
0x4c: {  	[tilespmem:s1+$0xFFFFFFD0] =	vst v5;
	v1 =	vld.idx.msk [tilespmem:v10+s4+$0x0], $0xffff  }
0x4d: {  	[tilespmem:s1+$0xFFFFFFE0] =	vst v6;
	v2 =	vld.idx.msk [tilespmem:v11+s4+$0x0], $0xffff  }
0x4e: {  	[tilespmem:s1+$0xFFFFFFF0] =	vst v7;
	v3 =	vld.idx.msk [tilespmem:v12+s4+$0x0], $0xffff  }
0x4f: {  	[tilespmem:s1+$0xFFFFFF80] =	vst v15;
	v4 =	vld.idx.msk [tilespmem:v13+s4+$0x0], $0xffff  }
0x50: {  	s31 =	sshll.u32 s30, $0xF;
	s6 =	simm.s32 $0x18880;
	s0 =	simm.s32 $0x0;
	[tilespmem:s1+$0x0] =	vst v8;
	v5 =	vld.idx.msk [tilespmem:v14+s4+$0x0], $0xffff  }
.LBB2_3:
0x51: {  	v6 =	vld [tilespmem:s6+$0x70];
	s0 =	sadd.s32 $0x10, s0;
	[tilespmem:s1+$0x10] =	vst v0  }
0x52: {  	v0 =	vld [tilespmem:s6+$0xFFFFFF90];
	p1 =	slt.u32 s0, $0xF0;
	[tilespmem:s1+$0x20] =	vst v1  }
0x53: {  	v1 =	vld [tilespmem:s6+$0xFFFFFFA0];
	[tilespmem:s1+$0x30] =	vst v2  }
0x54: {  	v2 =	vld [tilespmem:s6+$0xFFFFFFB0];
	[tilespmem:s1+$0x40] =	vst v3  }
0x55: {  	v3 =	vld [tilespmem:s6+$0xFFFFFFC0];
	[tilespmem:s1+$0x50] =	vst v4  }
0x56: {  	v4 =	vld [tilespmem:s6+$0xFFFFFFD0];
	[tilespmem:s1+$0x60] =	vst v5  }
0x57: {  	v5 =	vld [tilespmem:s6+$0xFFFFFFE0]  }
0x58: {  	v7 =	vld [tilespmem:s6+$0xFFFFFFF0]  }
0x59: {  	v6 =	vld.idx.msk [tilespmem:v6+s4+$0x0], $0xffff  }
0x5a: {  	v8 =	vld [tilespmem:s6+$0x0]  }
0x5b: {  	v9 =	vld [tilespmem:s6+$0x10]  }
0x5c: {  	v10 =	vld [tilespmem:s6+$0x20]  }
0x5d: {  	v11 =	vld [tilespmem:s6+$0x30]  }
0x5e: {  	s1 =	sadd.s32 $0x100, s1;
	v12 =	vld [tilespmem:s6+$0x40]  }
0x5f: {  	v13 =	vld [tilespmem:s6+$0x50];
	[tilespmem:s1+$0x70] =	vst v6  }
0x60: {  	v6 =	vld [tilespmem:s6+$0x60]  }
0x61: {  	v14 =	vld [tilespmem:s6+$0xFFFFFF80]  }
0x62: {  	v0 =	vld.idx.msk [tilespmem:v0+s4+$0x0], $0xffff  }
0x63: {  	v1 =	vld.idx.msk [tilespmem:v1+s4+$0x0], $0xffff  }
0x64: {  	v2 =	vld.idx.msk [tilespmem:v2+s4+$0x0], $0xffff  }
0x65: {  	v3 =	vld.idx.msk [tilespmem:v3+s4+$0x0], $0xffff  }
0x66: {  	v4 =	vld.idx.msk [tilespmem:v4+s4+$0x0], $0xffff  }
0x67: {  	v5 =	vld.idx.msk [tilespmem:v5+s4+$0x0], $0xffff  }
0x68: {  	[tilespmem:s1+$0xFFFFFF90] =	vst v0;
	v7 =	vld.idx.msk [tilespmem:v7+s4+$0x0], $0xffff  }
0x69: {  	v14 =	vld.idx.msk [tilespmem:v14+s4+$0x0], $0xffff;
	[tilespmem:s1+$0xFFFFFFA0] =	vst v1  }
0x6a: {  	[tilespmem:s1+$0xFFFFFFB0] =	vst v2;
	v8 =	vld.idx.msk [tilespmem:v8+s4+$0x0], $0xffff  }
0x6b: {  	[tilespmem:s1+$0xFFFFFFC0] =	vst v3;
	v0 =	vld.idx.msk [tilespmem:v9+s4+$0x0], $0xffff  }
.Ltmp2:
0x6c: {  	[tilespmem:s1+$0xFFFFFFD0] =	vst v4;
	v1 =	vld.idx.msk [tilespmem:v10+s4+$0x0], $0xffff;
	(pc) =	sbr.rel @p1 .LBB2_3-.Ltmp2, $4  }
0x6d: {  	[tilespmem:s1+$0xFFFFFFE0] =	vst v5;
	v2 =	vld.idx.msk [tilespmem:v11+s4+$0x0], $0xffff  }
0x6e: {  	[tilespmem:s1+$0xFFFFFFF0] =	vst v7;
	v3 =	vld.idx.msk [tilespmem:v12+s4+$0x0], $0xffff  }
0x6f: {  	[tilespmem:s1+$0xFFFFFF80] =	vst v14;
	v4 =	vld.idx.msk [tilespmem:v13+s4+$0x0], $0xffff  }
0x70: {  	s6 =	sadd.s32 $0x100, s6;
	[tilespmem:s1+$0x0] =	vst v8;
	v5 =	vld.idx.msk [tilespmem:v6+s4+$0x0], $0xffff  }
0x71: {  	[tilespmem:s1+$0x10] =	vst v0  }
0x72: {  	[tilespmem:s1+$0x20] =	vst v1;
	s0 =	sshll.u32 s30, $0x13;
	p1 =	sne.s32 s30, $0x18  }
.Ltmp3:
0x73: {  	[tilespmem:s1+$0x30] =	vst v2;
	s0 =	sor.u32 s0, s10;
	(pc) =	sbr.rel @p1 .LBB2_6-.Ltmp3, $4  }
0x74: {  	[tilespmem:s1+$0x40] =	vst v3;
	s0 =	sor.u32 s5, s0  }
0x75: {  	[tilespmem:s1+$0x50] =	vst v4;
	s0 =	sshrl.u32 s0, $0x3  }
0x76: {  	[tilespmem:s1+$0x60] =	vst v5;
	s7 =	sadd.s32 s2, s0  }
0x77: {  	[hbm4b:s7+s15] =	stream.strided.scatter [tilespmem:s23], [sflag:$0x3], $0x1000, s16, s15, $0x38;
	[tilespmem:$0x1F900] =	vst v63  }
.Ltmp4:
0x78: {  	(pc) =	sbr.rel .LBB2_7-.Ltmp4, $4  }
0x79: {  	_ = 	snop  }
0x7a: {  	_ =	swait.ge [sflag:s24], $0x1000  }
0x7b: {  	[sflag:s24] =	ssyncset.done $0x0  }
0x7c: {  	[sflag:s24] =	ssyncadd.s32 $0xFFFFF000  }
.LBB2_6:
0x7d: {  	s1 =	sshrl.u32 s31, $0x2  }
0x7e: {  	s1 =	sadd.s32 s1, s3  }
.Ltmp5:
0x7f: {  	s1 =	sadd.s32 $0x2000, s1;
	(pc) =	sbr.rel @p0 .LBB2_8-.Ltmp5, $4  }
0x80: {  	[tilespmem:s20], [sflag:$0x1] =	stream.linear.gather [spmem:s1], $0x1000, $0x38;
	[tilespmem:$0x1F900] =	vst v63  }
0x81: {  	_ =	swait.ge [sflag:s24], $0x1000  }
0x82: {  	[sflag:s24] =	ssyncset.done $0x0  }
0x83: {  	[sflag:s24] =	ssyncadd.s32 $0xFFFFF000  }
.LBB2_7:
0x84: {  	_ =	swait.ge [sflag:s25], $0x1000  }
0x85: {  	[sflag:s25] =	ssyncset.done $0x0  }
0x86: {  	[sflag:s25] =	ssyncadd.s32 $0xFFFFF000  }
.LBB2_8:
0x87: {  	s1 =	simm.s32 $0x19780  }
0x88: {  	v0 =	vld [tilespmem:s1+$0x70]  }
0x89: {  	v1 =	vld [tilespmem:s1+$0xFFFFFF90]  }
0x8a: {  	v2 =	vld [tilespmem:s1+$0xFFFFFFA0]  }
0x8b: {  	v3 =	vld [tilespmem:s1+$0xFFFFFFB0]  }
0x8c: {  	v4 =	vld [tilespmem:s1+$0xFFFFFFC0]  }
0x8d: {  	v5 =	vld [tilespmem:s1+$0xFFFFFFD0]  }
0x8e: {  	v6 =	vld [tilespmem:s1+$0xFFFFFFE0]  }
0x8f: {  	v7 =	vld [tilespmem:s1+$0xFFFFFFF0]  }
0x90: {  	v8 =	vld [tilespmem:s1+$0x0]  }
0x91: {  	v9 =	vld [tilespmem:s1+$0x10]  }
0x92: {  	v10 =	vld [tilespmem:s1+$0x20]  }
0x93: {  	v11 =	vld [tilespmem:s1+$0x30]  }
0x94: {  	v12 =	vld [tilespmem:s1+$0x40]  }
0x95: {  	v13 =	vld [tilespmem:s1+$0x50]  }
0x96: {  	v14 =	vld [tilespmem:s1+$0x60]  }
0x97: {  	v15 =	vld [tilespmem:s1+$0xFFFFFF80]  }
0x98: {  	v0 =	vld.idx.msk [tilespmem:v0+s4+$0x0], $0xffff  }
0x99: {  	v1 =	vld.idx.msk [tilespmem:v1+s4+$0x0], $0xffff  }
0x9a: {  	v2 =	vld.idx.msk [tilespmem:v2+s4+$0x0], $0xffff  }
0x9b: {  	v3 =	vld.idx.msk [tilespmem:v3+s4+$0x0], $0xffff  }
0x9c: {  	v4 =	vld.idx.msk [tilespmem:v4+s4+$0x0], $0xffff  }
0x9d: {  	s1 =	simm.s32 $0x1B780;
	v5 =	vld.idx.msk [tilespmem:v5+s4+$0x0], $0xffff  }
0x9e: {  	v6 =	vld.idx.msk [tilespmem:v6+s4+$0x0], $0xffff;
	[tilespmem:s1+$0x70] =	vst v0  }
0x9f: {  	v7 =	vld.idx.msk [tilespmem:v7+s4+$0x0], $0xffff;
	[tilespmem:s1+$0xFFFFFF90] =	vst v1  }
0xa0: {  	v15 =	vld.idx.msk [tilespmem:v15+s4+$0x0], $0xffff;
	[tilespmem:s1+$0xFFFFFFA0] =	vst v2  }
0xa1: {  	v8 =	vld.idx.msk [tilespmem:v8+s4+$0x0], $0xffff;
	[tilespmem:s1+$0xFFFFFFB0] =	vst v3  }
0xa2: {  	[tilespmem:s1+$0xFFFFFFC0] =	vst v4;
	v0 =	vld.idx.msk [tilespmem:v9+s4+$0x0], $0xffff  }
0xa3: {  	[tilespmem:s1+$0xFFFFFFD0] =	vst v5;
	v1 =	vld.idx.msk [tilespmem:v10+s4+$0x0], $0xffff  }
0xa4: {  	[tilespmem:s1+$0xFFFFFFE0] =	vst v6;
	v2 =	vld.idx.msk [tilespmem:v11+s4+$0x0], $0xffff  }
0xa5: {  	[tilespmem:s1+$0xFFFFFFF0] =	vst v7;
	v3 =	vld.idx.msk [tilespmem:v12+s4+$0x0], $0xffff  }
0xa6: {  	[tilespmem:s1+$0xFFFFFF80] =	vst v15;
	v4 =	vld.idx.msk [tilespmem:v13+s4+$0x0], $0xffff  }
0xa7: {  	s6 =	simm.s32 $0x0;
	s7 =	simm.s32 $0x19880;
	[tilespmem:s1+$0x0] =	vst v8;
	v5 =	vld.idx.msk [tilespmem:v14+s4+$0x0], $0xffff  }
.LBB2_9:
0xa8: {  	v6 =	vld [tilespmem:s7+$0x70];
	s6 =	sadd.s32 $0x10, s6;
	[tilespmem:s1+$0x10] =	vst v0  }
0xa9: {  	v0 =	vld [tilespmem:s7+$0xFFFFFF90];
	p0 =	slt.u32 s6, $0xF0;
	[tilespmem:s1+$0x20] =	vst v1  }
0xaa: {  	v1 =	vld [tilespmem:s7+$0xFFFFFFA0];
	[tilespmem:s1+$0x30] =	vst v2  }
0xab: {  	v2 =	vld [tilespmem:s7+$0xFFFFFFB0];
	[tilespmem:s1+$0x40] =	vst v3  }
0xac: {  	v3 =	vld [tilespmem:s7+$0xFFFFFFC0];
	[tilespmem:s1+$0x50] =	vst v4  }
0xad: {  	v4 =	vld [tilespmem:s7+$0xFFFFFFD0];
	[tilespmem:s1+$0x60] =	vst v5  }
0xae: {  	v5 =	vld [tilespmem:s7+$0xFFFFFFE0]  }
0xaf: {  	v7 =	vld [tilespmem:s7+$0xFFFFFFF0]  }
0xb0: {  	v6 =	vld.idx.msk [tilespmem:v6+s4+$0x0], $0xffff  }
0xb1: {  	v8 =	vld [tilespmem:s7+$0x0]  }
0xb2: {  	v9 =	vld [tilespmem:s7+$0x10]  }
0xb3: {  	v10 =	vld [tilespmem:s7+$0x20]  }
0xb4: {  	v11 =	vld [tilespmem:s7+$0x30]  }
0xb5: {  	s1 =	sadd.s32 $0x100, s1;
	v12 =	vld [tilespmem:s7+$0x40]  }
0xb6: {  	v13 =	vld [tilespmem:s7+$0x50];
	[tilespmem:s1+$0x70] =	vst v6  }
0xb7: {  	v6 =	vld [tilespmem:s7+$0x60]  }
0xb8: {  	v14 =	vld [tilespmem:s7+$0xFFFFFF80]  }
0xb9: {  	v0 =	vld.idx.msk [tilespmem:v0+s4+$0x0], $0xffff  }
0xba: {  	v1 =	vld.idx.msk [tilespmem:v1+s4+$0x0], $0xffff  }
0xbb: {  	v2 =	vld.idx.msk [tilespmem:v2+s4+$0x0], $0xffff  }
0xbc: {  	v3 =	vld.idx.msk [tilespmem:v3+s4+$0x0], $0xffff  }
0xbd: {  	v4 =	vld.idx.msk [tilespmem:v4+s4+$0x0], $0xffff  }
0xbe: {  	v5 =	vld.idx.msk [tilespmem:v5+s4+$0x0], $0xffff  }
0xbf: {  	[tilespmem:s1+$0xFFFFFF90] =	vst v0;
	v7 =	vld.idx.msk [tilespmem:v7+s4+$0x0], $0xffff  }
0xc0: {  	v14 =	vld.idx.msk [tilespmem:v14+s4+$0x0], $0xffff;
	[tilespmem:s1+$0xFFFFFFA0] =	vst v1  }
0xc1: {  	[tilespmem:s1+$0xFFFFFFB0] =	vst v2;
	v8 =	vld.idx.msk [tilespmem:v8+s4+$0x0], $0xffff  }
0xc2: {  	[tilespmem:s1+$0xFFFFFFC0] =	vst v3;
	v0 =	vld.idx.msk [tilespmem:v9+s4+$0x0], $0xffff  }
.Ltmp6:
0xc3: {  	[tilespmem:s1+$0xFFFFFFD0] =	vst v4;
	v1 =	vld.idx.msk [tilespmem:v10+s4+$0x0], $0xffff;
	(pc) =	sbr.rel @p0 .LBB2_9-.Ltmp6, $4  }
0xc4: {  	[tilespmem:s1+$0xFFFFFFE0] =	vst v5;
	v2 =	vld.idx.msk [tilespmem:v11+s4+$0x0], $0xffff  }
0xc5: {  	[tilespmem:s1+$0xFFFFFFF0] =	vst v7;
	v3 =	vld.idx.msk [tilespmem:v12+s4+$0x0], $0xffff  }
0xc6: {  	[tilespmem:s1+$0xFFFFFF80] =	vst v14;
	v4 =	vld.idx.msk [tilespmem:v13+s4+$0x0], $0xffff  }
0xc7: {  	s7 =	sadd.s32 $0x100, s7;
	[tilespmem:s1+$0x0] =	vst v8;
	v5 =	vld.idx.msk [tilespmem:v6+s4+$0x0], $0xffff  }
0xc8: {  	[tilespmem:s1+$0x10] =	vst v0  }
0xc9: {  	[tilespmem:s1+$0x20] =	vst v1;
	p0 =	seq.s32 s30, $0x18  }
.Ltmp7:
0xca: {  	[tilespmem:s1+$0x30] =	vst v2;
	(pc) =	sbr.rel @p0 .LBB2_12-.Ltmp7, $4  }
0xcb: {  	[tilespmem:s1+$0x40] =	vst v3  }
0xcc: {  	[tilespmem:s1+$0x50] =	vst v4  }
0xcd: {  	s0 =	sadd.s32 s0, s11;
	[tilespmem:s1+$0x60] =	vst v5  }
0xce: {  	[hbm4b:s0+s15] =	stream.strided.scatter [tilespmem:s26], [sflag:$0x4], $0x1000, s16, s15, $0x38;
	[tilespmem:$0x1F900] =	vst v63  }
.Ltmp8:
0xcf: {  	(pc) =	sbr.rel .LBB2_2-.Ltmp8, $4  }
0xd0: {  	s0 =	sshrl.u32 s31, $0x2  }
0xd1: {  	s0 =	sadd.s32 s0, s3  }
0xd2: {  	s30 =	sadd.s32 $0x1, s30;
	s0 =	sadd.s32 $0x3000, s0  }
0xd3: {  	[tilespmem:s21], [sflag:$0x2] =	stream.linear.gather [spmem:s0], $0x1000, $0x38;
	[tilespmem:$0x1F900] =	vst v63  }
.LBB2_12:
0xd4: {  	_ =	swait.ge [sflag:s28], $0x1000  }
0xd5: {  	[sflag:s28] =	ssyncset.done $0x0  }
0xd6: {  	[sflag:s28] =	ssyncadd.s32 $0xFFFFF000  }
0xd7: {  	_ =	swait.ge [sflag:s25], $0x1000  }
0xd8: {  	[sflag:s25] =	ssyncset.done $0x0  }
0xd9: {  	s30 =	simm.s32 $0x0;
	[sflag:s25] =	ssyncadd.s32 $0xFFFFF000  }
0xda: {  	[tilespmem:s30], [sflag:$0x6] =	stream.strided.gather [hbm4b:s12+s15], $0x18700, s16, s15, $0x38;
	[tilespmem:$0x1F900] =	vst v63  }
0xdb: {  	_ =	swait.ge [sflag:s18], $0x18700  }
0xdc: {  	[sflag:s18] =	ssyncset.done $0x0  }
0xdd: {  	[sflag:s18] =	ssyncadd.s32 $0xFFFE7900  }
0xde: {  	[tilespmem:s20], [sflag:$0x1] =	stream.linear.gather [spmem:s3], $0x1000, $0x38;
	[tilespmem:$0x1F900] =	vst v63  }
0xdf: {  	_ = 	snop  }
0xe0: {  	[tilespmem:s21], [sflag:$0x2] =	stream.linear.gather [spmem:s9], $0x1000, $0x38;
	[tilespmem:$0x1F900] =	vst v63  }
.LBB2_13:
0xe1: {  	_ =	swait.ge [sflag:s22], $0x1000  }
0xe2: {  	p0 =	seq.s32 s30, $0x0;
	[sflag:s22] =	ssyncset.done $0x0  }
0xe3: {  	s0 =	simm.s32 @!p0 $0x3;
	[sflag:s22] =	ssyncadd.s32 $0xFFFFF000  }
0xe4: {  	_ =	swait.ge @!p0 [sflag:s0], $0x1000  }
0xe5: {  	[sflag:s0] =	ssyncset.done @!p0 $0x0  }
0xe6: {  	s7 =	simm.s32 $0x18780;
	[sflag:s0] =	ssyncadd.s32 @!p0 $0xFFFFF000  }
0xe7: {  	v0 =	vld [tilespmem:s7+$0x70]  }
0xe8: {  	v1 =	vld [tilespmem:s7+$0xFFFFFF90]  }
0xe9: {  	v2 =	vld [tilespmem:s7+$0xFFFFFFA0]  }
0xea: {  	v3 =	vld [tilespmem:s7+$0xFFFFFFB0]  }
0xeb: {  	v4 =	vld [tilespmem:s7+$0xFFFFFFC0]  }
0xec: {  	v5 =	vld [tilespmem:s7+$0xFFFFFFD0]  }
0xed: {  	v6 =	vld [tilespmem:s7+$0xFFFFFFE0]  }
0xee: {  	v7 =	vld [tilespmem:s7+$0xFFFFFFF0]  }
0xef: {  	v8 =	vld [tilespmem:s7+$0x0]  }
0xf0: {  	v9 =	vld [tilespmem:s7+$0x10]  }
0xf1: {  	v10 =	vld [tilespmem:s7+$0x20]  }
0xf2: {  	v11 =	vld [tilespmem:s7+$0x30]  }
0xf3: {  	v12 =	vld [tilespmem:s7+$0x40]  }
0xf4: {  	v13 =	vld [tilespmem:s7+$0x50]  }
0xf5: {  	v14 =	vld [tilespmem:s7+$0x60]  }
0xf6: {  	v15 =	vld [tilespmem:s7+$0xFFFFFF80]  }
0xf7: {  	v0 =	vld.idx.msk [tilespmem:v0+s4+$0x0], $0xffff  }
0xf8: {  	v1 =	vld.idx.msk [tilespmem:v1+s4+$0x0], $0xffff  }
0xf9: {  	v2 =	vld.idx.msk [tilespmem:v2+s4+$0x0], $0xffff  }
0xfa: {  	v3 =	vld.idx.msk [tilespmem:v3+s4+$0x0], $0xffff  }
0xfb: {  	v4 =	vld.idx.msk [tilespmem:v4+s4+$0x0], $0xffff  }
0xfc: {  	s1 =	simm.s32 $0x1A780;
	v5 =	vld.idx.msk [tilespmem:v5+s4+$0x0], $0xffff  }
0xfd: {  	v6 =	vld.idx.msk [tilespmem:v6+s4+$0x0], $0xffff;
	[tilespmem:s1+$0x70] =	vst v0  }
0xfe: {  	v7 =	vld.idx.msk [tilespmem:v7+s4+$0x0], $0xffff;
	[tilespmem:s1+$0xFFFFFF90] =	vst v1  }
0xff: {  	v15 =	vld.idx.msk [tilespmem:v15+s4+$0x0], $0xffff;
	[tilespmem:s1+$0xFFFFFFA0] =	vst v2  }
0x100: {  	v8 =	vld.idx.msk [tilespmem:v8+s4+$0x0], $0xffff;
	[tilespmem:s1+$0xFFFFFFB0] =	vst v3  }
0x101: {  	[tilespmem:s1+$0xFFFFFFC0] =	vst v4;
	v0 =	vld.idx.msk [tilespmem:v9+s4+$0x0], $0xffff  }
0x102: {  	[tilespmem:s1+$0xFFFFFFD0] =	vst v5;
	v1 =	vld.idx.msk [tilespmem:v10+s4+$0x0], $0xffff  }
0x103: {  	[tilespmem:s1+$0xFFFFFFE0] =	vst v6;
	v2 =	vld.idx.msk [tilespmem:v11+s4+$0x0], $0xffff  }
0x104: {  	[tilespmem:s1+$0xFFFFFFF0] =	vst v7;
	v3 =	vld.idx.msk [tilespmem:v12+s4+$0x0], $0xffff  }
0x105: {  	[tilespmem:s1+$0xFFFFFF80] =	vst v15;
	v4 =	vld.idx.msk [tilespmem:v13+s4+$0x0], $0xffff  }
0x106: {  	s31 =	sshll.u32 s30, $0xF;
	s6 =	simm.s32 $0x18880;
	s0 =	simm.s32 $0x0;
	[tilespmem:s1+$0x0] =	vst v8;
	v5 =	vld.idx.msk [tilespmem:v14+s4+$0x0], $0xffff  }
.LBB2_14:
0x107: {  	v6 =	vld [tilespmem:s6+$0x70];
	s0 =	sadd.s32 $0x10, s0;
	[tilespmem:s1+$0x10] =	vst v0  }
0x108: {  	v0 =	vld [tilespmem:s6+$0xFFFFFF90];
	p1 =	slt.u32 s0, $0xF0;
	[tilespmem:s1+$0x20] =	vst v1  }
0x109: {  	v1 =	vld [tilespmem:s6+$0xFFFFFFA0];
	[tilespmem:s1+$0x30] =	vst v2  }
0x10a: {  	v2 =	vld [tilespmem:s6+$0xFFFFFFB0];
	[tilespmem:s1+$0x40] =	vst v3  }
0x10b: {  	v3 =	vld [tilespmem:s6+$0xFFFFFFC0];
	[tilespmem:s1+$0x50] =	vst v4  }
0x10c: {  	v4 =	vld [tilespmem:s6+$0xFFFFFFD0];
	[tilespmem:s1+$0x60] =	vst v5  }
0x10d: {  	v5 =	vld [tilespmem:s6+$0xFFFFFFE0]  }
0x10e: {  	v7 =	vld [tilespmem:s6+$0xFFFFFFF0]  }
0x10f: {  	v6 =	vld.idx.msk [tilespmem:v6+s4+$0x0], $0xffff  }
0x110: {  	v8 =	vld [tilespmem:s6+$0x0]  }
0x111: {  	v9 =	vld [tilespmem:s6+$0x10]  }
0x112: {  	v10 =	vld [tilespmem:s6+$0x20]  }
0x113: {  	v11 =	vld [tilespmem:s6+$0x30]  }
0x114: {  	s1 =	sadd.s32 $0x100, s1;
	v12 =	vld [tilespmem:s6+$0x40]  }
0x115: {  	v13 =	vld [tilespmem:s6+$0x50];
	[tilespmem:s1+$0x70] =	vst v6  }
0x116: {  	v6 =	vld [tilespmem:s6+$0x60]  }
0x117: {  	v14 =	vld [tilespmem:s6+$0xFFFFFF80]  }
0x118: {  	v0 =	vld.idx.msk [tilespmem:v0+s4+$0x0], $0xffff  }
0x119: {  	v1 =	vld.idx.msk [tilespmem:v1+s4+$0x0], $0xffff  }
0x11a: {  	v2 =	vld.idx.msk [tilespmem:v2+s4+$0x0], $0xffff  }
0x11b: {  	v3 =	vld.idx.msk [tilespmem:v3+s4+$0x0], $0xffff  }
0x11c: {  	v4 =	vld.idx.msk [tilespmem:v4+s4+$0x0], $0xffff  }
0x11d: {  	v5 =	vld.idx.msk [tilespmem:v5+s4+$0x0], $0xffff  }
0x11e: {  	[tilespmem:s1+$0xFFFFFF90] =	vst v0;
	v7 =	vld.idx.msk [tilespmem:v7+s4+$0x0], $0xffff  }
0x11f: {  	v14 =	vld.idx.msk [tilespmem:v14+s4+$0x0], $0xffff;
	[tilespmem:s1+$0xFFFFFFA0] =	vst v1  }
0x120: {  	[tilespmem:s1+$0xFFFFFFB0] =	vst v2;
	v8 =	vld.idx.msk [tilespmem:v8+s4+$0x0], $0xffff  }
0x121: {  	[tilespmem:s1+$0xFFFFFFC0] =	vst v3;
	v0 =	vld.idx.msk [tilespmem:v9+s4+$0x0], $0xffff  }
.Ltmp9:
0x122: {  	[tilespmem:s1+$0xFFFFFFD0] =	vst v4;
	v1 =	vld.idx.msk [tilespmem:v10+s4+$0x0], $0xffff;
	(pc) =	sbr.rel @p1 .LBB2_14-.Ltmp9, $4  }
0x123: {  	[tilespmem:s1+$0xFFFFFFE0] =	vst v5;
	v2 =	vld.idx.msk [tilespmem:v11+s4+$0x0], $0xffff  }
0x124: {  	[tilespmem:s1+$0xFFFFFFF0] =	vst v7;
	v3 =	vld.idx.msk [tilespmem:v12+s4+$0x0], $0xffff  }
0x125: {  	[tilespmem:s1+$0xFFFFFF80] =	vst v14;
	v4 =	vld.idx.msk [tilespmem:v13+s4+$0x0], $0xffff  }
0x126: {  	s6 =	sadd.s32 $0x100, s6;
	[tilespmem:s1+$0x0] =	vst v8;
	v5 =	vld.idx.msk [tilespmem:v6+s4+$0x0], $0xffff  }
0x127: {  	[tilespmem:s1+$0x10] =	vst v0  }
0x128: {  	[tilespmem:s1+$0x20] =	vst v1;
	s0 =	sshll.u32 s30, $0x13;
	p1 =	sne.s32 s30, $0x18  }
.Ltmp10:
0x129: {  	[tilespmem:s1+$0x30] =	vst v2;
	s0 =	sor.u32 s0, s13;
	(pc) =	sbr.rel @p1 .LBB2_17-.Ltmp10, $4  }
0x12a: {  	[tilespmem:s1+$0x40] =	vst v3;
	s0 =	sor.u32 s5, s0  }
0x12b: {  	[tilespmem:s1+$0x50] =	vst v4;
	s0 =	sshrl.u32 s0, $0x3  }
0x12c: {  	[tilespmem:s1+$0x60] =	vst v5;
	s7 =	sadd.s32 s2, s0  }
0x12d: {  	[hbm4b:s7+s15] =	stream.strided.scatter [tilespmem:s23], [sflag:$0x3], $0x1000, s16, s15, $0x38;
	[tilespmem:$0x1F900] =	vst v63  }
.Ltmp11:
0x12e: {  	(pc) =	sbr.rel .LBB2_18-.Ltmp11, $4  }
0x12f: {  	_ = 	snop  }
0x130: {  	_ =	swait.ge [sflag:s24], $0x1000  }
0x131: {  	[sflag:s24] =	ssyncset.done $0x0  }
0x132: {  	[sflag:s24] =	ssyncadd.s32 $0xFFFFF000  }
.LBB2_17:
0x133: {  	s1 =	sshrl.u32 s31, $0x2  }
0x134: {  	s1 =	sadd.s32 s1, s3  }
.Ltmp12:
0x135: {  	s1 =	sadd.s32 $0x2000, s1;
	(pc) =	sbr.rel @p0 .LBB2_19-.Ltmp12, $4  }
0x136: {  	[tilespmem:s20], [sflag:$0x1] =	stream.linear.gather [spmem:s1], $0x1000, $0x38;
	[tilespmem:$0x1F900] =	vst v63  }
0x137: {  	_ =	swait.ge [sflag:s24], $0x1000  }
0x138: {  	[sflag:s24] =	ssyncset.done $0x0  }
0x139: {  	[sflag:s24] =	ssyncadd.s32 $0xFFFFF000  }
.LBB2_18:
0x13a: {  	_ =	swait.ge [sflag:s25], $0x1000  }
0x13b: {  	[sflag:s25] =	ssyncset.done $0x0  }
0x13c: {  	[sflag:s25] =	ssyncadd.s32 $0xFFFFF000  }
.LBB2_19:
0x13d: {  	s1 =	simm.s32 $0x19780  }
0x13e: {  	v0 =	vld [tilespmem:s1+$0x70]  }
0x13f: {  	v1 =	vld [tilespmem:s1+$0xFFFFFF90]  }
0x140: {  	v2 =	vld [tilespmem:s1+$0xFFFFFFA0]  }
0x141: {  	v3 =	vld [tilespmem:s1+$0xFFFFFFB0]  }
0x142: {  	v4 =	vld [tilespmem:s1+$0xFFFFFFC0]  }
0x143: {  	v5 =	vld [tilespmem:s1+$0xFFFFFFD0]  }
0x144: {  	v6 =	vld [tilespmem:s1+$0xFFFFFFE0]  }
0x145: {  	v7 =	vld [tilespmem:s1+$0xFFFFFFF0]  }
0x146: {  	v8 =	vld [tilespmem:s1+$0x0]  }
0x147: {  	v9 =	vld [tilespmem:s1+$0x10]  }
0x148: {  	v10 =	vld [tilespmem:s1+$0x20]  }
0x149: {  	v11 =	vld [tilespmem:s1+$0x30]  }
0x14a: {  	v12 =	vld [tilespmem:s1+$0x40]  }
0x14b: {  	v13 =	vld [tilespmem:s1+$0x50]  }
0x14c: {  	v14 =	vld [tilespmem:s1+$0x60]  }
0x14d: {  	v15 =	vld [tilespmem:s1+$0xFFFFFF80]  }
0x14e: {  	v0 =	vld.idx.msk [tilespmem:v0+s4+$0x0], $0xffff  }
0x14f: {  	v1 =	vld.idx.msk [tilespmem:v1+s4+$0x0], $0xffff  }
0x150: {  	v2 =	vld.idx.msk [tilespmem:v2+s4+$0x0], $0xffff  }
0x151: {  	v3 =	vld.idx.msk [tilespmem:v3+s4+$0x0], $0xffff  }
0x152: {  	v4 =	vld.idx.msk [tilespmem:v4+s4+$0x0], $0xffff  }
0x153: {  	s1 =	simm.s32 $0x1B780;
	v5 =	vld.idx.msk [tilespmem:v5+s4+$0x0], $0xffff  }
0x154: {  	v6 =	vld.idx.msk [tilespmem:v6+s4+$0x0], $0xffff;
	[tilespmem:s1+$0x70] =	vst v0  }
0x155: {  	v7 =	vld.idx.msk [tilespmem:v7+s4+$0x0], $0xffff;
	[tilespmem:s1+$0xFFFFFF90] =	vst v1  }
0x156: {  	v15 =	vld.idx.msk [tilespmem:v15+s4+$0x0], $0xffff;
	[tilespmem:s1+$0xFFFFFFA0] =	vst v2  }
0x157: {  	v8 =	vld.idx.msk [tilespmem:v8+s4+$0x0], $0xffff;
	[tilespmem:s1+$0xFFFFFFB0] =	vst v3  }
0x158: {  	[tilespmem:s1+$0xFFFFFFC0] =	vst v4;
	v0 =	vld.idx.msk [tilespmem:v9+s4+$0x0], $0xffff  }
0x159: {  	[tilespmem:s1+$0xFFFFFFD0] =	vst v5;
	v1 =	vld.idx.msk [tilespmem:v10+s4+$0x0], $0xffff  }
0x15a: {  	[tilespmem:s1+$0xFFFFFFE0] =	vst v6;
	v2 =	vld.idx.msk [tilespmem:v11+s4+$0x0], $0xffff  }
0x15b: {  	[tilespmem:s1+$0xFFFFFFF0] =	vst v7;
	v3 =	vld.idx.msk [tilespmem:v12+s4+$0x0], $0xffff  }
0x15c: {  	[tilespmem:s1+$0xFFFFFF80] =	vst v15;
	v4 =	vld.idx.msk [tilespmem:v13+s4+$0x0], $0xffff  }
0x15d: {  	s6 =	simm.s32 $0x0;
	s7 =	simm.s32 $0x19880;
	[tilespmem:s1+$0x0] =	vst v8;
	v5 =	vld.idx.msk [tilespmem:v14+s4+$0x0], $0xffff  }
.LBB2_20:
0x15e: {  	v6 =	vld [tilespmem:s7+$0x70];
	s6 =	sadd.s32 $0x10, s6;
	[tilespmem:s1+$0x10] =	vst v0  }
0x15f: {  	v0 =	vld [tilespmem:s7+$0xFFFFFF90];
	p0 =	slt.u32 s6, $0xF0;
	[tilespmem:s1+$0x20] =	vst v1  }
0x160: {  	v1 =	vld [tilespmem:s7+$0xFFFFFFA0];
	[tilespmem:s1+$0x30] =	vst v2  }
0x161: {  	v2 =	vld [tilespmem:s7+$0xFFFFFFB0];
	[tilespmem:s1+$0x40] =	vst v3  }
0x162: {  	v3 =	vld [tilespmem:s7+$0xFFFFFFC0];
	[tilespmem:s1+$0x50] =	vst v4  }
0x163: {  	v4 =	vld [tilespmem:s7+$0xFFFFFFD0];
	[tilespmem:s1+$0x60] =	vst v5  }
0x164: {  	v5 =	vld [tilespmem:s7+$0xFFFFFFE0]  }
0x165: {  	v7 =	vld [tilespmem:s7+$0xFFFFFFF0]  }
0x166: {  	v6 =	vld.idx.msk [tilespmem:v6+s4+$0x0], $0xffff  }
0x167: {  	v8 =	vld [tilespmem:s7+$0x0]  }
0x168: {  	v9 =	vld [tilespmem:s7+$0x10]  }
0x169: {  	v10 =	vld [tilespmem:s7+$0x20]  }
0x16a: {  	v11 =	vld [tilespmem:s7+$0x30]  }
0x16b: {  	s1 =	sadd.s32 $0x100, s1;
	v12 =	vld [tilespmem:s7+$0x40]  }
0x16c: {  	v13 =	vld [tilespmem:s7+$0x50];
	[tilespmem:s1+$0x70] =	vst v6  }
0x16d: {  	v6 =	vld [tilespmem:s7+$0x60]  }
0x16e: {  	v14 =	vld [tilespmem:s7+$0xFFFFFF80]  }
0x16f: {  	v0 =	vld.idx.msk [tilespmem:v0+s4+$0x0], $0xffff  }
0x170: {  	v1 =	vld.idx.msk [tilespmem:v1+s4+$0x0], $0xffff  }
0x171: {  	v2 =	vld.idx.msk [tilespmem:v2+s4+$0x0], $0xffff  }
0x172: {  	v3 =	vld.idx.msk [tilespmem:v3+s4+$0x0], $0xffff  }
0x173: {  	v4 =	vld.idx.msk [tilespmem:v4+s4+$0x0], $0xffff  }
0x174: {  	v5 =	vld.idx.msk [tilespmem:v5+s4+$0x0], $0xffff  }
0x175: {  	[tilespmem:s1+$0xFFFFFF90] =	vst v0;
	v7 =	vld.idx.msk [tilespmem:v7+s4+$0x0], $0xffff  }
0x176: {  	v14 =	vld.idx.msk [tilespmem:v14+s4+$0x0], $0xffff;
	[tilespmem:s1+$0xFFFFFFA0] =	vst v1  }
0x177: {  	[tilespmem:s1+$0xFFFFFFB0] =	vst v2;
	v8 =	vld.idx.msk [tilespmem:v8+s4+$0x0], $0xffff  }
0x178: {  	[tilespmem:s1+$0xFFFFFFC0] =	vst v3;
	v0 =	vld.idx.msk [tilespmem:v9+s4+$0x0], $0xffff  }
.Ltmp13:
0x179: {  	[tilespmem:s1+$0xFFFFFFD0] =	vst v4;
	v1 =	vld.idx.msk [tilespmem:v10+s4+$0x0], $0xffff;
	(pc) =	sbr.rel @p0 .LBB2_20-.Ltmp13, $4  }
0x17a: {  	[tilespmem:s1+$0xFFFFFFE0] =	vst v5;
	v2 =	vld.idx.msk [tilespmem:v11+s4+$0x0], $0xffff  }
0x17b: {  	[tilespmem:s1+$0xFFFFFFF0] =	vst v7;
	v3 =	vld.idx.msk [tilespmem:v12+s4+$0x0], $0xffff  }
0x17c: {  	[tilespmem:s1+$0xFFFFFF80] =	vst v14;
	v4 =	vld.idx.msk [tilespmem:v13+s4+$0x0], $0xffff  }
0x17d: {  	s7 =	sadd.s32 $0x100, s7;
	[tilespmem:s1+$0x0] =	vst v8;
	v5 =	vld.idx.msk [tilespmem:v6+s4+$0x0], $0xffff  }
0x17e: {  	[tilespmem:s1+$0x10] =	vst v0  }
0x17f: {  	[tilespmem:s1+$0x20] =	vst v1;
	p0 =	seq.s32 s30, $0x18  }
.Ltmp14:
0x180: {  	[tilespmem:s1+$0x30] =	vst v2;
	(pc) =	sbr.rel @p0 .LBB2_23-.Ltmp14, $4  }
0x181: {  	[tilespmem:s1+$0x40] =	vst v3  }
0x182: {  	s0 =	sor.u32 $0x8000, s0;
	[tilespmem:s1+$0x50] =	vst v4  }
0x183: {  	s0 =	sadd.s32 s2, s0;
	[tilespmem:s1+$0x60] =	vst v5  }
0x184: {  	[hbm4b:s0+s15] =	stream.strided.scatter [tilespmem:s26], [sflag:$0x4], $0x1000, s16, s15, $0x38;
	[tilespmem:$0x1F900] =	vst v63  }
.Ltmp15:
0x185: {  	(pc) =	sbr.rel .LBB2_13-.Ltmp15, $4  }
0x186: {  	s0 =	sshrl.u32 s31, $0x2  }
0x187: {  	s0 =	sadd.s32 s0, s3  }
0x188: {  	s30 =	sadd.s32 $0x1, s30;
	s0 =	sadd.s32 $0x3000, s0  }
0x189: {  	[tilespmem:s21], [sflag:$0x2] =	stream.linear.gather [spmem:s0], $0x1000, $0x38;
	[tilespmem:$0x1F900] =	vst v63  }
.LBB2_24:
0x18a: {  	_ =	sfence.sel $0x180000  }
0x18b: {  	[bflag:$0x0] =	sbarrier.arrive $0xFFFF  }
0x18c: {  	_ =	strace $0x90000047  }
0x18d: {  	s0 =	stileid.u32;
	[bflag:$0x2] =	sbarrier.arrive $0xFFFF  }
0x18e: {  	p0 =	sne.s32 s0, $0x0;
	s0 =	rddreg [dreg:$0x4]  }
0x18f: {  	s0 =	sadd.s32 @!p0 $0x100000, s0  }
0x190: {  	[sflag:s0] =	ssyncadd.tile.s32 @!p0 $0x1;
	_ =	shalt  }
.Lfunc_end2:
_tile_overlayer_lowered:
.L_overlay_start_2:
0x191: {  	(tag) =	ssettag $0x2  }
0x192: {  	s0 =	rddreg [dreg:$0x0];
	s2 =	stileid.u32  }
0x193: {  	s1 =	rddreg [dreg:$0x1];
	p0 =	sne.s32 s2, $0x0  }
0x194: {  	s3 =	rddreg [dreg:$0x2];
	[bflag:$0x3] =	sbarrier.arrive $0xFFFF;
	s2 =	simm.s32 @!p0 $0x1C06  }
0x195: {  	[timem:s3], [sflag:s2] =	dma.local @!p0 [hbm:s0], s1  }
0x196: {  	s0 =	simm.s32 @!p0 $0x6  }
0x197: {  	_ =	swait.ge @!p0 [sflag:s0], s1  }
0x198: {  	s1 =	ssub.s32 @!p0 $0x0, s1;
	[sflag:s0] =	ssyncset.done @!p0 $0x0  }
0x199: {  	[sflag:s0] =	ssyncadd.s32 @!p0 s1  }
0x19a: {  	[bflag:$0x3] =	sbarrier.arrive $0xFFFF  }
0x19b: {  	_ =	shalt  }

</sc_bundles>
